<compile_context>
chip_gen: v7x
topology: tpu7x:2x2x1
jax: 0.10.2.dev20260603
libtpu: 0.0.44.dev20260713+nightly
codegen_flags: <defaults>
</compile_context>

<pallas_src>
import functools

import jax
import jax.numpy as jnp
from jax import lax
from jax.experimental import pallas as pl
from jax.experimental.pallas import tpu as pltpu
from jax.experimental.pallas import tpu_sc as plsc

B, F, D, V = 4096, 26, 64, 100000
NC, NS = 2, 16
NW = NC * NS
BPW = B // NW
BB = 1024


def _sc_gather(item_idx, table_t):
    mesh = plsc.VectorSubcoreMesh(
        core_axis_name="c", subcore_axis_name="s", num_cores=NC, num_subcores=NS
    )

    @functools.partial(
        pl.kernel,
        out_type=jax.ShapeDtypeStruct((F, B), jnp.float32),
        mesh=mesh,
        scratch_types=[
            pltpu.VMEM((BPW,), jnp.int32),
            pltpu.VMEM((F, BPW), jnp.float32),
            pltpu.SemaphoreType.DMA,
        ],
        compiler_params=pltpu.CompilerParams(
            needs_layout_passes=False,
            skip_device_barrier=True,
            use_tc_tiling_on_sc=False,
        ),
    )
    def gather_kernel(idx_hbm, table_hbm, out_hbm, idx_v, rows_v, sem):
        wid = lax.axis_index("s") * NC + lax.axis_index("c")
        base = wid * BPW
        pltpu.sync_copy(idx_hbm.at[pl.ds(base, BPW)], idx_v)
        for f in range(F):
            pltpu.async_copy(
                table_hbm.at[f].at[idx_v], rows_v.at[f], sem
            )
        for f in range(F):
            pltpu.make_async_copy(
                table_hbm.at[f].at[idx_v], rows_v.at[f], sem
            ).wait()
        pltpu.sync_copy(rows_v, out_hbm.at[:, pl.ds(base, BPW)])

    return gather_kernel(item_idx, table_t)


def _pool_body(a_ref, x_ref, out_ref):
    a = a_ref[...]
    m = jnp.max(a, axis=0, keepdims=True)
    e = jnp.exp(a - m)
    w = e / jnp.sum(e, axis=0, keepdims=True)
    acc = x_ref[0] * w[0:1, :]
    for f in range(1, F):
        acc = acc + x_ref[f] * w[f : f + 1, :]
    out_ref[...] = acc


def _tc_pool(alpha_t, stack_t):
    return pl.pallas_call(
        _pool_body,
        grid=(B // BB,),
        in_specs=[
            pl.BlockSpec((F, BB), lambda i: (0, i)),
            pl.BlockSpec((F, D, BB), lambda i: (0, 0, i)),
        ],
        out_specs=pl.BlockSpec((D, BB), lambda i: (0, i)),
        out_shape=jax.ShapeDtypeStruct((D, B), jnp.float32),
        compiler_params=pltpu.CompilerParams(skip_device_barrier=True),
    )(alpha_t, stack_t)


def kernel(stack_embedding, item_input, alpha_embeddings):
    item_idx = jnp.reshape(item_input, (B,)).astype(jnp.int32)
    table_t = jnp.transpose(alpha_embeddings)
    stack_t = jnp.transpose(stack_embedding, (1, 2, 0))
    alpha_t = _sc_gather(item_idx, table_t)
    out_t = _tc_pool(alpha_t, stack_t)
    return jnp.transpose(out_t)

# --- scband reference (transcript-rebuilt; emitter-appended) ---
"""Pipeline reference for scband-egespooling-16578573762735 (READ-ONLY COPY).

The authoritative reference and input builder live on the scoring server;
editing this copy changes nothing except your own understanding.
"""

import jax, jax.numpy as jnp
import numpy as np

B, F, D, V = 4096, 26, 64, 100000

def setup_inputs(seed: int = 0) -> dict:
    key = jax.random.key(seed)
    k1, k2, k3 = jax.random.split(key, 3)
    # inputs[0] in the original keras layer is a list of F side-info embeddings,
    # each [B, 1, D]; Concatenate(axis=1) yields [B, F, D]. We materialize the
    # concatenated stack directly.
    stack_embedding = jax.random.normal(k1, (B, F, D), dtype=jnp.float32)
    item_input = jax.random.randint(k2, (B, 1), 0, V)
    # learned parameter: per-item attention logits over the F side-info fields
    alpha_embeddings = jax.random.uniform(k3, (V, F), minval=-1.0, maxval=1.0, dtype=jnp.float32)
    return {"stack_embedding": stack_embedding, "item_input": item_input, "alpha_embeddings": alpha_embeddings}

def reference(stack_embedding, item_input, alpha_embeddings):
    # tf.nn.embedding_lookup(alpha_embeddings, item_input) -> [B, 1, F]
    alpha = jnp.take(alpha_embeddings, item_input, axis=0)
    # tf.transpose(perm=[0, 2, 1]) -> [B, F, 1]
    alpha = jnp.transpose(alpha, (0, 2, 1))
    # softmax over the F side-info fields (axis=1)
    side_info_weight = jax.nn.softmax(alpha, axis=1)
    # weighted merge of side-info embeddings: [B, F, 1] * [B, F, D]
    merge_embedding_matrix = side_info_weight * stack_embedding
    merge_embedding = jnp.sum(merge_embedding_matrix, axis=1)
    return merge_embedding

if __name__ == "__main__":
    import jax
    _d = setup_inputs()
    print(jax.jit(kernel)(*tuple(_d.values())))

</pallas_src>

<mosaic_0001>
#map = affine_map<(d0, d1) -> (0)>
#map1 = affine_map<(d0, d1) -> (0, 0)>
module attributes {stable_mosaic.version = 14 : i64} {
  func.func @gather_kernel(%arg0: i32, %arg1: i32, %arg2: memref<4096xi32, #tpu.memory_space<hbm>>, %arg3: memref<26x100000xf32, #tpu.memory_space<hbm>>, %arg4: memref<26x4096xf32, #tpu.memory_space<hbm>>, %arg5: memref<128xi32, #tpu.memory_space<vmem>>, %arg6: memref<26x128xf32, #tpu.memory_space<vmem>>, %arg7: memref<!tpu.dma_semaphore, #tpu.memory_space<semaphore_mem>>) attributes {dimension_semantics = [#tpu.dimension_semantics<core_parallel>, #tpu.dimension_semantics<subcore_parallel>], iteration_bounds = array<i64: 2, 16>, scalar_prefetch = 0 : i64, scratch_operands = 3 : i64, tpu.core_type = #tpu.core_type<sc_vector_subcore>, window_params = [{transform_indices = #map}, {transform_indices = #map1}, {transform_indices = #map1}]} {
    %mul3A = arith.constant 2 : i32
    %mul3A_0 = arith.muli %arg1, %mul3A : i32
    %add3A = arith.addi %mul3A_0, %arg0 : i32
    %mul3A_1 = arith.constant 128 : i32
    %mul3A_2 = arith.muli %add3A, %mul3A_1 : i32
    "tpu.region"() ({
      %run_scoped3A = tpu.sem_alloc : memref<!tpu.dma_semaphore, #tpu.memory_space<semaphore_mem>>
      %dma_start3A_521 = tpu.memref_slice %arg2[%mul3A_2] : memref<4096xi32, #tpu.memory_space<hbm>> -> memref<128xi32, #tpu.memory_space<hbm>>
      %dma_start3A_522 = tpu.memref_slice %arg2[%mul3A_2] : memref<4096xi32, #tpu.memory_space<hbm>> -> memref<128xi32, #tpu.memory_space<hbm>>
      tpu.enqueue_dma source(%dma_start3A_522 : memref<128xi32, #tpu.memory_space<hbm>>) target(%arg5 : memref<128xi32, #tpu.memory_space<vmem>>) target_semaphore(%run_scoped3A : memref<!tpu.dma_semaphore, #tpu.memory_space<semaphore_mem>>)
      %dma_wait3A_523 = tpu.memref_slice %arg2[%mul3A_2] : memref<4096xi32, #tpu.memory_space<hbm>> -> memref<128xi32, #tpu.memory_space<hbm>>
      %dma_wait3A_524 = tpu.memref_slice %arg2[%mul3A_2] : memref<4096xi32, #tpu.memory_space<hbm>> -> memref<128xi32, #tpu.memory_space<hbm>>
      tpu.wait_dma2 semaphore(%run_scoped3A : memref<!tpu.dma_semaphore, #tpu.memory_space<semaphore_mem>>) src(%dma_wait3A_524 : memref<128xi32, #tpu.memory_space<hbm>>) dst(%arg5 : memref<128xi32, #tpu.memory_space<vmem>>)
      tpu.yield
    }) : () -> ()
    %dma_start3A = arith.constant 0 : i32
    %dma_start3A_3 = arith.constant 0 : i32
    %dma_start3A_4 = arith.constant 0 : i32
    %dma_start3A_5 = tpu.memref_slice %arg6[%dma_start3A_3, %dma_start3A_4] : memref<26x128xf32, #tpu.memory_space<vmem>> -> memref<1x128xf32, #tpu.memory_space<vmem>>
    %dma_start3A_6 = tpu.memref_squeeze %dma_start3A_5 : memref<1x128xf32, #tpu.memory_space<vmem>> -> memref<128xf32, #tpu.memory_space<vmem>>
    %dma_start3A_7 = arith.constant 0 : i32
    %dma_start3A_8 = tpu.memref_slice %arg3[%dma_start3A, %dma_start3A_7] : memref<26x100000xf32, #tpu.memory_space<hbm>> -> memref<1x100000xf32, #tpu.memory_space<hbm>>
    %dma_start3A_9 = tpu.memref_squeeze %dma_start3A_8 : memref<1x100000xf32, #tpu.memory_space<hbm>> -> memref<100000xf32, #tpu.memory_space<hbm>>
    %dma_start3A_10 = arith.constant 0 : i32
    %dma_start3A_11 = tpu.memref_slice %dma_start3A_9[%dma_start3A_10] : memref<100000xf32, #tpu.memory_space<hbm>> -> memref<100000xf32, #tpu.memory_space<hbm>>
    tpu.enqueue_indirect_dma source(%dma_start3A_11 : memref<100000xf32, #tpu.memory_space<hbm>>) target(%dma_start3A_6 : memref<128xf32, #tpu.memory_space<vmem>>) offsets(%arg5 : memref<128xi32, #tpu.memory_space<vmem>>) semaphore(%arg7 : memref<!tpu.dma_semaphore, #tpu.memory_space<semaphore_mem>>)
    %dma_start3A_12 = arith.constant 1 : i32
    %dma_start3A_13 = arith.constant 1 : i32
    %dma_start3A_14 = arith.constant 0 : i32
    %dma_start3A_15 = tpu.memref_slice %arg6[%dma_start3A_13, %dma_start3A_14] : memref<26x128xf32, #tpu.memory_space<vmem>> -> memref<1x128xf32, #tpu.memory_space<vmem>>
    %dma_start3A_16 = tpu.memref_squeeze %dma_start3A_15 : memref<1x128xf32, #tpu.memory_space<vmem>> -> memref<128xf32, #tpu.memory_space<vmem>>
    %dma_start3A_17 = arith.constant 0 : i32
    %dma_start3A_18 = tpu.memref_slice %arg3[%dma_start3A_12, %dma_start3A_17] : memref<26x100000xf32, #tpu.memory_space<hbm>> -> memref<1x100000xf32, #tpu.memory_space<hbm>>
    %dma_start3A_19 = tpu.memref_squeeze %dma_start3A_18 : memref<1x100000xf32, #tpu.memory_space<hbm>> -> memref<100000xf32, #tpu.memory_space<hbm>>
    %dma_start3A_20 = arith.constant 0 : i32
    %dma_start3A_21 = tpu.memref_slice %dma_start3A_19[%dma_start3A_20] : memref<100000xf32, #tpu.memory_space<hbm>> -> memref<100000xf32, #tpu.memory_space<hbm>>
    tpu.enqueue_indirect_dma source(%dma_start3A_21 : memref<100000xf32, #tpu.memory_space<hbm>>) target(%dma_start3A_16 : memref<128xf32, #tpu.memory_space<vmem>>) offsets(%arg5 : memref<128xi32, #tpu.memory_space<vmem>>) semaphore(%arg7 : memref<!tpu.dma_semaphore, #tpu.memory_space<semaphore_mem>>)
    %dma_start3A_22 = arith.constant 2 : i32
    %dma_start3A_23 = arith.constant 2 : i32
    %dma_start3A_24 = arith.constant 0 : i32
    %dma_start3A_25 = tpu.memref_slice %arg6[%dma_start3A_23, %dma_start3A_24] : memref<26x128xf32, #tpu.memory_space<vmem>> -> memref<1x128xf32, #tpu.memory_space<vmem>>
    %dma_start3A_26 = tpu.memref_squeeze %dma_start3A_25 : memref<1x128xf32, #tpu.memory_space<vmem>> -> memref<128xf32, #tpu.memory_space<vmem>>
    %dma_start3A_27 = arith.constant 0 : i32
    %dma_start3A_28 = tpu.memref_slice %arg3[%dma_start3A_22, %dma_start3A_27] : memref<26x100000xf32, #tpu.memory_space<hbm>> -> memref<1x100000xf32, #tpu.memory_space<hbm>>
    %dma_start3A_29 = tpu.memref_squeeze %dma_start3A_28 : memref<1x100000xf32, #tpu.memory_space<hbm>> -> memref<100000xf32, #tpu.memory_space<hbm>>
    %dma_start3A_30 = arith.constant 0 : i32
    %dma_start3A_31 = tpu.memref_slice %dma_start3A_29[%dma_start3A_30] : memref<100000xf32, #tpu.memory_space<hbm>> -> memref<100000xf32, #tpu.memory_space<hbm>>
    tpu.enqueue_indirect_dma source(%dma_start3A_31 : memref<100000xf32, #tpu.memory_space<hbm>>) target(%dma_start3A_26 : memref<128xf32, #tpu.memory_space<vmem>>) offsets(%arg5 : memref<128xi32, #tpu.memory_space<vmem>>) semaphore(%arg7 : memref<!tpu.dma_semaphore, #tpu.memory_space<semaphore_mem>>)
    %dma_start3A_32 = arith.constant 3 : i32
    %dma_start3A_33 = arith.constant 3 : i32
    %dma_start3A_34 = arith.constant 0 : i32
    %dma_start3A_35 = tpu.memref_slice %arg6[%dma_start3A_33, %dma_start3A_34] : memref<26x128xf32, #tpu.memory_space<vmem>> -> memref<1x128xf32, #tpu.memory_space<vmem>>
    %dma_start3A_36 = tpu.memref_squeeze %dma_start3A_35 : memref<1x128xf32, #tpu.memory_space<vmem>> -> memref<128xf32, #tpu.memory_space<vmem>>
    %dma_start3A_37 = arith.constant 0 : i32
    %dma_start3A_38 = tpu.memref_slice %arg3[%dma_start3A_32, %dma_start3A_37] : memref<26x100000xf32, #tpu.memory_space<hbm>> -> memref<1x100000xf32, #tpu.memory_space<hbm>>
    %dma_start3A_39 = tpu.memref_squeeze %dma_start3A_38 : memref<1x100000xf32, #tpu.memory_space<hbm>> -> memref<100000xf32, #tpu.memory_space<hbm>>
    %dma_start3A_40 = arith.constant 0 : i32
    %dma_start3A_41 = tpu.memref_slice %dma_start3A_39[%dma_start3A_40] : memref<100000xf32, #tpu.memory_space<hbm>> -> memref<100000xf32, #tpu.memory_space<hbm>>
    tpu.enqueue_indirect_dma source(%dma_start3A_41 : memref<100000xf32, #tpu.memory_space<hbm>>) target(%dma_start3A_36 : memref<128xf32, #tpu.memory_space<vmem>>) offsets(%arg5 : memref<128xi32, #tpu.memory_space<vmem>>) semaphore(%arg7 : memref<!tpu.dma_semaphore, #tpu.memory_space<semaphore_mem>>)
    %dma_start3A_42 = arith.constant 4 : i32
    %dma_start3A_43 = arith.constant 4 : i32
    %dma_start3A_44 = arith.constant 0 : i32
    %dma_start3A_45 = tpu.memref_slice %arg6[%dma_start3A_43, %dma_start3A_44] : memref<26x128xf32, #tpu.memory_space<vmem>> -> memref<1x128xf32, #tpu.memory_space<vmem>>
    %dma_start3A_46 = tpu.memref_squeeze %dma_start3A_45 : memref<1x128xf32, #tpu.memory_space<vmem>> -> memref<128xf32, #tpu.memory_space<vmem>>
    %dma_start3A_47 = arith.constant 0 : i32
    %dma_start3A_48 = tpu.memref_slice %arg3[%dma_start3A_42, %dma_start3A_47] : memref<26x100000xf32, #tpu.memory_space<hbm>> -> memref<1x100000xf32, #tpu.memory_space<hbm>>
    %dma_start3A_49 = tpu.memref_squeeze %dma_start3A_48 : memref<1x100000xf32, #tpu.memory_space<hbm>> -> memref<100000xf32, #tpu.memory_space<hbm>>
    %dma_start3A_50 = arith.constant 0 : i32
    %dma_start3A_51 = tpu.memref_slice %dma_start3A_49[%dma_start3A_50] : memref<100000xf32, #tpu.memory_space<hbm>> -> memref<100000xf32, #tpu.memory_space<hbm>>
    tpu.enqueue_indirect_dma source(%dma_start3A_51 : memref<100000xf32, #tpu.memory_space<hbm>>) target(%dma_start3A_46 : memref<128xf32, #tpu.memory_space<vmem>>) offsets(%arg5 : memref<128xi32, #tpu.memory_space<vmem>>) semaphore(%arg7 : memref<!tpu.dma_semaphore, #tpu.memory_space<semaphore_mem>>)
    %dma_start3A_52 = arith.constant 5 : i32
    %dma_start3A_53 = arith.constant 5 : i32
    %dma_start3A_54 = arith.constant 0 : i32
    %dma_start3A_55 = tpu.memref_slice %arg6[%dma_start3A_53, %dma_start3A_54] : memref<26x128xf32, #tpu.memory_space<vmem>> -> memref<1x128xf32, #tpu.memory_space<vmem>>
    %dma_start3A_56 = tpu.memref_squeeze %dma_start3A_55 : memref<1x128xf32, #tpu.memory_space<vmem>> -> memref<128xf32, #tpu.memory_space<vmem>>
    %dma_start3A_57 = arith.constant 0 : i32
    %dma_start3A_58 = tpu.memref_slice %arg3[%dma_start3A_52, %dma_start3A_57] : memref<26x100000xf32, #tpu.memory_space<hbm>> -> memref<1x100000xf32, #tpu.memory_space<hbm>>
    %dma_start3A_59 = tpu.memref_squeeze %dma_start3A_58 : memref<1x100000xf32, #tpu.memory_space<hbm>> -> memref<100000xf32, #tpu.memory_space<hbm>>
    %dma_start3A_60 = arith.constant 0 : i32
    %dma_start3A_61 = tpu.memref_slice %dma_start3A_59[%dma_start3A_60] : memref<100000xf32, #tpu.memory_space<hbm>> -> memref<100000xf32, #tpu.memory_space<hbm>>
    tpu.enqueue_indirect_dma source(%dma_start3A_61 : memref<100000xf32, #tpu.memory_space<hbm>>) target(%dma_start3A_56 : memref<128xf32, #tpu.memory_space<vmem>>) offsets(%arg5 : memref<128xi32, #tpu.memory_space<vmem>>) semaphore(%arg7 : memref<!tpu.dma_semaphore, #tpu.memory_space<semaphore_mem>>)
    %dma_start3A_62 = arith.constant 6 : i32
    %dma_start3A_63 = arith.constant 6 : i32
    %dma_start3A_64 = arith.constant 0 : i32
    %dma_start3A_65 = tpu.memref_slice %arg6[%dma_start3A_63, %dma_start3A_64] : memref<26x128xf32, #tpu.memory_space<vmem>> -> memref<1x128xf32, #tpu.memory_space<vmem>>
    %dma_start3A_66 = tpu.memref_squeeze %dma_start3A_65 : memref<1x128xf32, #tpu.memory_space<vmem>> -> memref<128xf32, #tpu.memory_space<vmem>>
    %dma_start3A_67 = arith.constant 0 : i32
    %dma_start3A_68 = tpu.memref_slice %arg3[%dma_start3A_62, %dma_start3A_67] : memref<26x100000xf32, #tpu.memory_space<hbm>> -> memref<1x100000xf32, #tpu.memory_space<hbm>>
    %dma_start3A_69 = tpu.memref_squeeze %dma_start3A_68 : memref<1x100000xf32, #tpu.memory_space<hbm>> -> memref<100000xf32, #tpu.memory_space<hbm>>
    %dma_start3A_70 = arith.constant 0 : i32
    %dma_start3A_71 = tpu.memref_slice %dma_start3A_69[%dma_start3A_70] : memref<100000xf32, #tpu.memory_space<hbm>> -> memref<100000xf32, #tpu.memory_space<hbm>>
    tpu.enqueue_indirect_dma source(%dma_start3A_71 : memref<100000xf32, #tpu.memory_space<hbm>>) target(%dma_start3A_66 : memref<128xf32, #tpu.memory_space<vmem>>) offsets(%arg5 : memref<128xi32, #tpu.memory_space<vmem>>) semaphore(%arg7 : memref<!tpu.dma_semaphore, #tpu.memory_space<semaphore_mem>>)
    %dma_start3A_72 = arith.constant 7 : i32
    %dma_start3A_73 = arith.constant 7 : i32
    %dma_start3A_74 = arith.constant 0 : i32
    %dma_start3A_75 = tpu.memref_slice %arg6[%dma_start3A_73, %dma_start3A_74] : memref<26x128xf32, #tpu.memory_space<vmem>> -> memref<1x128xf32, #tpu.memory_space<vmem>>
    %dma_start3A_76 = tpu.memref_squeeze %dma_start3A_75 : memref<1x128xf32, #tpu.memory_space<vmem>> -> memref<128xf32, #tpu.memory_space<vmem>>
    %dma_start3A_77 = arith.constant 0 : i32
    %dma_start3A_78 = tpu.memref_slice %arg3[%dma_start3A_72, %dma_start3A_77] : memref<26x100000xf32, #tpu.memory_space<hbm>> -> memref<1x100000xf32, #tpu.memory_space<hbm>>
    %dma_start3A_79 = tpu.memref_squeeze %dma_start3A_78 : memref<1x100000xf32, #tpu.memory_space<hbm>> -> memref<100000xf32, #tpu.memory_space<hbm>>
    %dma_start3A_80 = arith.constant 0 : i32
    %dma_start3A_81 = tpu.memref_slice %dma_start3A_79[%dma_start3A_80] : memref<100000xf32, #tpu.memory_space<hbm>> -> memref<100000xf32, #tpu.memory_space<hbm>>
    tpu.enqueue_indirect_dma source(%dma_start3A_81 : memref<100000xf32, #tpu.memory_space<hbm>>) target(%dma_start3A_76 : memref<128xf32, #tpu.memory_space<vmem>>) offsets(%arg5 : memref<128xi32, #tpu.memory_space<vmem>>) semaphore(%arg7 : memref<!tpu.dma_semaphore, #tpu.memory_space<semaphore_mem>>)
    %dma_start3A_82 = arith.constant 8 : i32
    %dma_start3A_83 = arith.constant 8 : i32
    %dma_start3A_84 = arith.constant 0 : i32
    %dma_start3A_85 = tpu.memref_slice %arg6[%dma_start3A_83, %dma_start3A_84] : memref<26x128xf32, #tpu.memory_space<vmem>> -> memref<1x128xf32, #tpu.memory_space<vmem>>
    %dma_start3A_86 = tpu.memref_squeeze %dma_start3A_85 : memref<1x128xf32, #tpu.memory_space<vmem>> -> memref<128xf32, #tpu.memory_space<vmem>>
    %dma_start3A_87 = arith.constant 0 : i32
    %dma_start3A_88 = tpu.memref_slice %arg3[%dma_start3A_82, %dma_start3A_87] : memref<26x100000xf32, #tpu.memory_space<hbm>> -> memref<1x100000xf32, #tpu.memory_space<hbm>>
    %dma_start3A_89 = tpu.memref_squeeze %dma_start3A_88 : memref<1x100000xf32, #tpu.memory_space<hbm>> -> memref<100000xf32, #tpu.memory_space<hbm>>
    %dma_start3A_90 = arith.constant 0 : i32
    %dma_start3A_91 = tpu.memref_slice %dma_start3A_89[%dma_start3A_90] : memref<100000xf32, #tpu.memory_space<hbm>> -> memref<100000xf32, #tpu.memory_space<hbm>>
    tpu.enqueue_indirect_dma source(%dma_start3A_91 : memref<100000xf32, #tpu.memory_space<hbm>>) target(%dma_start3A_86 : memref<128xf32, #tpu.memory_space<vmem>>) offsets(%arg5 : memref<128xi32, #tpu.memory_space<vmem>>) semaphore(%arg7 : memref<!tpu.dma_semaphore, #tpu.memory_space<semaphore_mem>>)
    %dma_start3A_92 = arith.constant 9 : i32
    %dma_start3A_93 = arith.constant 9 : i32
    %dma_start3A_94 = arith.constant 0 : i32
    %dma_start3A_95 = tpu.memref_slice %arg6[%dma_start3A_93, %dma_start3A_94] : memref<26x128xf32, #tpu.memory_space<vmem>> -> memref<1x128xf32, #tpu.memory_space<vmem>>
    %dma_start3A_96 = tpu.memref_squeeze %dma_start3A_95 : memref<1x128xf32, #tpu.memory_space<vmem>> -> memref<128xf32, #tpu.memory_space<vmem>>
    %dma_start3A_97 = arith.constant 0 : i32
    %dma_start3A_98 = tpu.memref_slice %arg3[%dma_start3A_92, %dma_start3A_97] : memref<26x100000xf32, #tpu.memory_space<hbm>> -> memref<1x100000xf32, #tpu.memory_space<hbm>>
    %dma_start3A_99 = tpu.memref_squeeze %dma_start3A_98 : memref<1x100000xf32, #tpu.memory_space<hbm>> -> memref<100000xf32, #tpu.memory_space<hbm>>
    %dma_start3A_100 = arith.constant 0 : i32
    %dma_start3A_101 = tpu.memref_slice %dma_start3A_99[%dma_start3A_100] : memref<100000xf32, #tpu.memory_space<hbm>> -> memref<100000xf32, #tpu.memory_space<hbm>>
    tpu.enqueue_indirect_dma source(%dma_start3A_101 : memref<100000xf32, #tpu.memory_space<hbm>>) target(%dma_start3A_96 : memref<128xf32, #tpu.memory_space<vmem>>) offsets(%arg5 : memref<128xi32, #tpu.memory_space<vmem>>) semaphore(%arg7 : memref<!tpu.dma_semaphore, #tpu.memory_space<semaphore_mem>>)
    %dma_start3A_102 = arith.constant 10 : i32
    %dma_start3A_103 = arith.constant 10 : i32
    %dma_start3A_104 = arith.constant 0 : i32
    %dma_start3A_105 = tpu.memref_slice %arg6[%dma_start3A_103, %dma_start3A_104] : memref<26x128xf32, #tpu.memory_space<vmem>> -> memref<1x128xf32, #tpu.memory_space<vmem>>
    %dma_start3A_106 = tpu.memref_squeeze %dma_start3A_105 : memref<1x128xf32, #tpu.memory_space<vmem>> -> memref<128xf32, #tpu.memory_space<vmem>>
    %dma_start3A_107 = arith.constant 0 : i32
    %dma_start3A_108 = tpu.memref_slice %arg3[%dma_start3A_102, %dma_start3A_107] : memref<26x100000xf32, #tpu.memory_space<hbm>> -> memref<1x100000xf32, #tpu.memory_space<hbm>>
    %dma_start3A_109 = tpu.memref_squeeze %dma_start3A_108 : memref<1x100000xf32, #tpu.memory_space<hbm>> -> memref<100000xf32, #tpu.memory_space<hbm>>
    %dma_start3A_110 = arith.constant 0 : i32
    %dma_start3A_111 = tpu.memref_slice %dma_start3A_109[%dma_start3A_110] : memref<100000xf32, #tpu.memory_space<hbm>> -> memref<100000xf32, #tpu.memory_space<hbm>>
    tpu.enqueue_indirect_dma source(%dma_start3A_111 : memref<100000xf32, #tpu.memory_space<hbm>>) target(%dma_start3A_106 : memref<128xf32, #tpu.memory_space<vmem>>) offsets(%arg5 : memref<128xi32, #tpu.memory_space<vmem>>) semaphore(%arg7 : memref<!tpu.dma_semaphore, #tpu.memory_space<semaphore_mem>>)
    %dma_start3A_112 = arith.constant 11 : i32
    %dma_start3A_113 = arith.constant 11 : i32
    %dma_start3A_114 = arith.constant 0 : i32
    %dma_start3A_115 = tpu.memref_slice %arg6[%dma_start3A_113, %dma_start3A_114] : memref<26x128xf32, #tpu.memory_space<vmem>> -> memref<1x128xf32, #tpu.memory_space<vmem>>
    %dma_start3A_116 = tpu.memref_squeeze %dma_start3A_115 : memref<1x128xf32, #tpu.memory_space<vmem>> -> memref<128xf32, #tpu.memory_space<vmem>>
    %dma_start3A_117 = arith.constant 0 : i32
    %dma_start3A_118 = tpu.memref_slice %arg3[%dma_start3A_112, %dma_start3A_117] : memref<26x100000xf32, #tpu.memory_space<hbm>> -> memref<1x100000xf32, #tpu.memory_space<hbm>>
    %dma_start3A_119 = tpu.memref_squeeze %dma_start3A_118 : memref<1x100000xf32, #tpu.memory_space<hbm>> -> memref<100000xf32, #tpu.memory_space<hbm>>
    %dma_start3A_120 = arith.constant 0 : i32
    %dma_start3A_121 = tpu.memref_slice %dma_start3A_119[%dma_start3A_120] : memref<100000xf32, #tpu.memory_space<hbm>> -> memref<100000xf32, #tpu.memory_space<hbm>>
    tpu.enqueue_indirect_dma source(%dma_start3A_121 : memref<100000xf32, #tpu.memory_space<hbm>>) target(%dma_start3A_116 : memref<128xf32, #tpu.memory_space<vmem>>) offsets(%arg5 : memref<128xi32, #tpu.memory_space<vmem>>) semaphore(%arg7 : memref<!tpu.dma_semaphore, #tpu.memory_space<semaphore_mem>>)
    %dma_start3A_122 = arith.constant 12 : i32
    %dma_start3A_123 = arith.constant 12 : i32
    %dma_start3A_124 = arith.constant 0 : i32
    %dma_start3A_125 = tpu.memref_slice %arg6[%dma_start3A_123, %dma_start3A_124] : memref<26x128xf32, #tpu.memory_space<vmem>> -> memref<1x128xf32, #tpu.memory_space<vmem>>
    %dma_start3A_126 = tpu.memref_squeeze %dma_start3A_125 : memref<1x128xf32, #tpu.memory_space<vmem>> -> memref<128xf32, #tpu.memory_space<vmem>>
    %dma_start3A_127 = arith.constant 0 : i32
    %dma_start3A_128 = tpu.memref_slice %arg3[%dma_start3A_122, %dma_start3A_127] : memref<26x100000xf32, #tpu.memory_space<hbm>> -> memref<1x100000xf32, #tpu.memory_space<hbm>>
    %dma_start3A_129 = tpu.memref_squeeze %dma_start3A_128 : memref<1x100000xf32, #tpu.memory_space<hbm>> -> memref<100000xf32, #tpu.memory_space<hbm>>
    %dma_start3A_130 = arith.constant 0 : i32
    %dma_start3A_131 = tpu.memref_slice %dma_start3A_129[%dma_start3A_130] : memref<100000xf32, #tpu.memory_space<hbm>> -> memref<100000xf32, #tpu.memory_space<hbm>>
    tpu.enqueue_indirect_dma source(%dma_start3A_131 : memref<100000xf32, #tpu.memory_space<hbm>>) target(%dma_start3A_126 : memref<128xf32, #tpu.memory_space<vmem>>) offsets(%arg5 : memref<128xi32, #tpu.memory_space<vmem>>) semaphore(%arg7 : memref<!tpu.dma_semaphore, #tpu.memory_space<semaphore_mem>>)
    %dma_start3A_132 = arith.constant 13 : i32
    %dma_start3A_133 = arith.constant 13 : i32
    %dma_start3A_134 = arith.constant 0 : i32
    %dma_start3A_135 = tpu.memref_slice %arg6[%dma_start3A_133, %dma_start3A_134] : memref<26x128xf32, #tpu.memory_space<vmem>> -> memref<1x128xf32, #tpu.memory_space<vmem>>
    %dma_start3A_136 = tpu.memref_squeeze %dma_start3A_135 : memref<1x128xf32, #tpu.memory_space<vmem>> -> memref<128xf32, #tpu.memory_space<vmem>>
    %dma_start3A_137 = arith.constant 0 : i32
    %dma_start3A_138 = tpu.memref_slice %arg3[%dma_start3A_132, %dma_start3A_137] : memref<26x100000xf32, #tpu.memory_space<hbm>> -> memref<1x100000xf32, #tpu.memory_space<hbm>>
    %dma_start3A_139 = tpu.memref_squeeze %dma_start3A_138 : memref<1x100000xf32, #tpu.memory_space<hbm>> -> memref<100000xf32, #tpu.memory_space<hbm>>
    %dma_start3A_140 = arith.constant 0 : i32
    %dma_start3A_141 = tpu.memref_slice %dma_start3A_139[%dma_start3A_140] : memref<100000xf32, #tpu.memory_space<hbm>> -> memref<100000xf32, #tpu.memory_space<hbm>>
    tpu.enqueue_indirect_dma source(%dma_start3A_141 : memref<100000xf32, #tpu.memory_space<hbm>>) target(%dma_start3A_136 : memref<128xf32, #tpu.memory_space<vmem>>) offsets(%arg5 : memref<128xi32, #tpu.memory_space<vmem>>) semaphore(%arg7 : memref<!tpu.dma_semaphore, #tpu.memory_space<semaphore_mem>>)
    %dma_start3A_142 = arith.constant 14 : i32
    %dma_start3A_143 = arith.constant 14 : i32
    %dma_start3A_144 = arith.constant 0 : i32
    %dma_start3A_145 = tpu.memref_slice %arg6[%dma_start3A_143, %dma_start3A_144] : memref<26x128xf32, #tpu.memory_space<vmem>> -> memref<1x128xf32, #tpu.memory_space<vmem>>
    %dma_start3A_146 = tpu.memref_squeeze %dma_start3A_145 : memref<1x128xf32, #tpu.memory_space<vmem>> -> memref<128xf32, #tpu.memory_space<vmem>>
    %dma_start3A_147 = arith.constant 0 : i32
    %dma_start3A_148 = tpu.memref_slice %arg3[%dma_start3A_142, %dma_start3A_147] : memref<26x100000xf32, #tpu.memory_space<hbm>> -> memref<1x100000xf32, #tpu.memory_space<hbm>>
    %dma_start3A_149 = tpu.memref_squeeze %dma_start3A_148 : memref<1x100000xf32, #tpu.memory_space<hbm>> -> memref<100000xf32, #tpu.memory_space<hbm>>
    %dma_start3A_150 = arith.constant 0 : i32
    %dma_start3A_151 = tpu.memref_slice %dma_start3A_149[%dma_start3A_150] : memref<100000xf32, #tpu.memory_space<hbm>> -> memref<100000xf32, #tpu.memory_space<hbm>>
    tpu.enqueue_indirect_dma source(%dma_start3A_151 : memref<100000xf32, #tpu.memory_space<hbm>>) target(%dma_start3A_146 : memref<128xf32, #tpu.memory_space<vmem>>) offsets(%arg5 : memref<128xi32, #tpu.memory_space<vmem>>) semaphore(%arg7 : memref<!tpu.dma_semaphore, #tpu.memory_space<semaphore_mem>>)
    %dma_start3A_152 = arith.constant 15 : i32
    %dma_start3A_153 = arith.constant 15 : i32
    %dma_start3A_154 = arith.constant 0 : i32
    %dma_start3A_155 = tpu.memref_slice %arg6[%dma_start3A_153, %dma_start3A_154] : memref<26x128xf32, #tpu.memory_space<vmem>> -> memref<1x128xf32, #tpu.memory_space<vmem>>
    %dma_start3A_156 = tpu.memref_squeeze %dma_start3A_155 : memref<1x128xf32, #tpu.memory_space<vmem>> -> memref<128xf32, #tpu.memory_space<vmem>>
    %dma_start3A_157 = arith.constant 0 : i32
    %dma_start3A_158 = tpu.memref_slice %arg3[%dma_start3A_152, %dma_start3A_157] : memref<26x100000xf32, #tpu.memory_space<hbm>> -> memref<1x100000xf32, #tpu.memory_space<hbm>>
    %dma_start3A_159 = tpu.memref_squeeze %dma_start3A_158 : memref<1x100000xf32, #tpu.memory_space<hbm>> -> memref<100000xf32, #tpu.memory_space<hbm>>
    %dma_start3A_160 = arith.constant 0 : i32
    %dma_start3A_161 = tpu.memref_slice %dma_start3A_159[%dma_start3A_160] : memref<100000xf32, #tpu.memory_space<hbm>> -> memref<100000xf32, #tpu.memory_space<hbm>>
    tpu.enqueue_indirect_dma source(%dma_start3A_161 : memref<100000xf32, #tpu.memory_space<hbm>>) target(%dma_start3A_156 : memref<128xf32, #tpu.memory_space<vmem>>) offsets(%arg5 : memref<128xi32, #tpu.memory_space<vmem>>) semaphore(%arg7 : memref<!tpu.dma_semaphore, #tpu.memory_space<semaphore_mem>>)
    %dma_start3A_162 = arith.constant 16 : i32
    %dma_start3A_163 = arith.constant 16 : i32
    %dma_start3A_164 = arith.constant 0 : i32
    %dma_start3A_165 = tpu.memref_slice %arg6[%dma_start3A_163, %dma_start3A_164] : memref<26x128xf32, #tpu.memory_space<vmem>> -> memref<1x128xf32, #tpu.memory_space<vmem>>
    %dma_start3A_166 = tpu.memref_squeeze %dma_start3A_165 : memref<1x128xf32, #tpu.memory_space<vmem>> -> memref<128xf32, #tpu.memory_space<vmem>>
    %dma_start3A_167 = arith.constant 0 : i32
    %dma_start3A_168 = tpu.memref_slice %arg3[%dma_start3A_162, %dma_start3A_167] : memref<26x100000xf32, #tpu.memory_space<hbm>> -> memref<1x100000xf32, #tpu.memory_space<hbm>>
    %dma_start3A_169 = tpu.memref_squeeze %dma_start3A_168 : memref<1x100000xf32, #tpu.memory_space<hbm>> -> memref<100000xf32, #tpu.memory_space<hbm>>
    %dma_start3A_170 = arith.constant 0 : i32
    %dma_start3A_171 = tpu.memref_slice %dma_start3A_169[%dma_start3A_170] : memref<100000xf32, #tpu.memory_space<hbm>> -> memref<100000xf32, #tpu.memory_space<hbm>>
    tpu.enqueue_indirect_dma source(%dma_start3A_171 : memref<100000xf32, #tpu.memory_space<hbm>>) target(%dma_start3A_166 : memref<128xf32, #tpu.memory_space<vmem>>) offsets(%arg5 : memref<128xi32, #tpu.memory_space<vmem>>) semaphore(%arg7 : memref<!tpu.dma_semaphore, #tpu.memory_space<semaphore_mem>>)
    %dma_start3A_172 = arith.constant 17 : i32
    %dma_start3A_173 = arith.constant 17 : i32
    %dma_start3A_174 = arith.constant 0 : i32
    %dma_start3A_175 = tpu.memref_slice %arg6[%dma_start3A_173, %dma_start3A_174] : memref<26x128xf32, #tpu.memory_space<vmem>> -> memref<1x128xf32, #tpu.memory_space<vmem>>
    %dma_start3A_176 = tpu.memref_squeeze %dma_start3A_175 : memref<1x128xf32, #tpu.memory_space<vmem>> -> memref<128xf32, #tpu.memory_space<vmem>>
    %dma_start3A_177 = arith.constant 0 : i32
    %dma_start3A_178 = tpu.memref_slice %arg3[%dma_start3A_172, %dma_start3A_177] : memref<26x100000xf32, #tpu.memory_space<hbm>> -> memref<1x100000xf32, #tpu.memory_space<hbm>>
    %dma_start3A_179 = tpu.memref_squeeze %dma_start3A_178 : memref<1x100000xf32, #tpu.memory_space<hbm>> -> memref<100000xf32, #tpu.memory_space<hbm>>
    %dma_start3A_180 = arith.constant 0 : i32
    %dma_start3A_181 = tpu.memref_slice %dma_start3A_179[%dma_start3A_180] : memref<100000xf32, #tpu.memory_space<hbm>> -> memref<100000xf32, #tpu.memory_space<hbm>>
    tpu.enqueue_indirect_dma source(%dma_start3A_181 : memref<100000xf32, #tpu.memory_space<hbm>>) target(%dma_start3A_176 : memref<128xf32, #tpu.memory_space<vmem>>) offsets(%arg5 : memref<128xi32, #tpu.memory_space<vmem>>) semaphore(%arg7 : memref<!tpu.dma_semaphore, #tpu.memory_space<semaphore_mem>>)
    %dma_start3A_182 = arith.constant 18 : i32
    %dma_start3A_183 = arith.constant 18 : i32
    %dma_start3A_184 = arith.constant 0 : i32
    %dma_start3A_185 = tpu.memref_slice %arg6[%dma_start3A_183, %dma_start3A_184] : memref<26x128xf32, #tpu.memory_space<vmem>> -> memref<1x128xf32, #tpu.memory_space<vmem>>
    %dma_start3A_186 = tpu.memref_squeeze %dma_start3A_185 : memref<1x128xf32, #tpu.memory_space<vmem>> -> memref<128xf32, #tpu.memory_space<vmem>>
    %dma_start3A_187 = arith.constant 0 : i32
    %dma_start3A_188 = tpu.memref_slice %arg3[%dma_start3A_182, %dma_start3A_187] : memref<26x100000xf32, #tpu.memory_space<hbm>> -> memref<1x100000xf32, #tpu.memory_space<hbm>>
    %dma_start3A_189 = tpu.memref_squeeze %dma_start3A_188 : memref<1x100000xf32, #tpu.memory_space<hbm>> -> memref<100000xf32, #tpu.memory_space<hbm>>
    %dma_start3A_190 = arith.constant 0 : i32
    %dma_start3A_191 = tpu.memref_slice %dma_start3A_189[%dma_start3A_190] : memref<100000xf32, #tpu.memory_space<hbm>> -> memref<100000xf32, #tpu.memory_space<hbm>>
    tpu.enqueue_indirect_dma source(%dma_start3A_191 : memref<100000xf32, #tpu.memory_space<hbm>>) target(%dma_start3A_186 : memref<128xf32, #tpu.memory_space<vmem>>) offsets(%arg5 : memref<128xi32, #tpu.memory_space<vmem>>) semaphore(%arg7 : memref<!tpu.dma_semaphore, #tpu.memory_space<semaphore_mem>>)
    %dma_start3A_192 = arith.constant 19 : i32
    %dma_start3A_193 = arith.constant 19 : i32
    %dma_start3A_194 = arith.constant 0 : i32
    %dma_start3A_195 = tpu.memref_slice %arg6[%dma_start3A_193, %dma_start3A_194] : memref<26x128xf32, #tpu.memory_space<vmem>> -> memref<1x128xf32, #tpu.memory_space<vmem>>
    %dma_start3A_196 = tpu.memref_squeeze %dma_start3A_195 : memref<1x128xf32, #tpu.memory_space<vmem>> -> memref<128xf32, #tpu.memory_space<vmem>>
    %dma_start3A_197 = arith.constant 0 : i32
    %dma_start3A_198 = tpu.memref_slice %arg3[%dma_start3A_192, %dma_start3A_197] : memref<26x100000xf32, #tpu.memory_space<hbm>> -> memref<1x100000xf32, #tpu.memory_space<hbm>>
    %dma_start3A_199 = tpu.memref_squeeze %dma_start3A_198 : memref<1x100000xf32, #tpu.memory_space<hbm>> -> memref<100000xf32, #tpu.memory_space<hbm>>
    %dma_start3A_200 = arith.constant 0 : i32
    %dma_start3A_201 = tpu.memref_slice %dma_start3A_199[%dma_start3A_200] : memref<100000xf32, #tpu.memory_space<hbm>> -> memref<100000xf32, #tpu.memory_space<hbm>>
    tpu.enqueue_indirect_dma source(%dma_start3A_201 : memref<100000xf32, #tpu.memory_space<hbm>>) target(%dma_start3A_196 : memref<128xf32, #tpu.memory_space<vmem>>) offsets(%arg5 : memref<128xi32, #tpu.memory_space<vmem>>) semaphore(%arg7 : memref<!tpu.dma_semaphore, #tpu.memory_space<semaphore_mem>>)
    %dma_start3A_202 = arith.constant 20 : i32
    %dma_start3A_203 = arith.constant 20 : i32
    %dma_start3A_204 = arith.constant 0 : i32
    %dma_start3A_205 = tpu.memref_slice %arg6[%dma_start3A_203, %dma_start3A_204] : memref<26x128xf32, #tpu.memory_space<vmem>> -> memref<1x128xf32, #tpu.memory_space<vmem>>
    %dma_start3A_206 = tpu.memref_squeeze %dma_start3A_205 : memref<1x128xf32, #tpu.memory_space<vmem>> -> memref<128xf32, #tpu.memory_space<vmem>>
    %dma_start3A_207 = arith.constant 0 : i32
    %dma_start3A_208 = tpu.memref_slice %arg3[%dma_start3A_202, %dma_start3A_207] : memref<26x100000xf32, #tpu.memory_space<hbm>> -> memref<1x100000xf32, #tpu.memory_space<hbm>>
    %dma_start3A_209 = tpu.memref_squeeze %dma_start3A_208 : memref<1x100000xf32, #tpu.memory_space<hbm>> -> memref<100000xf32, #tpu.memory_space<hbm>>
    %dma_start3A_210 = arith.constant 0 : i32
    %dma_start3A_211 = tpu.memref_slice %dma_start3A_209[%dma_start3A_210] : memref<100000xf32, #tpu.memory_space<hbm>> -> memref<100000xf32, #tpu.memory_space<hbm>>
    tpu.enqueue_indirect_dma source(%dma_start3A_211 : memref<100000xf32, #tpu.memory_space<hbm>>) target(%dma_start3A_206 : memref<128xf32, #tpu.memory_space<vmem>>) offsets(%arg5 : memref<128xi32, #tpu.memory_space<vmem>>) semaphore(%arg7 : memref<!tpu.dma_semaphore, #tpu.memory_space<semaphore_mem>>)
    %dma_start3A_212 = arith.constant 21 : i32
    %dma_start3A_213 = arith.constant 21 : i32
    %dma_start3A_214 = arith.constant 0 : i32
    %dma_start3A_215 = tpu.memref_slice %arg6[%dma_start3A_213, %dma_start3A_214] : memref<26x128xf32, #tpu.memory_space<vmem>> -> memref<1x128xf32, #tpu.memory_space<vmem>>
    %dma_start3A_216 = tpu.memref_squeeze %dma_start3A_215 : memref<1x128xf32, #tpu.memory_space<vmem>> -> memref<128xf32, #tpu.memory_space<vmem>>
    %dma_start3A_217 = arith.constant 0 : i32
    %dma_start3A_218 = tpu.memref_slice %arg3[%dma_start3A_212, %dma_start3A_217] : memref<26x100000xf32, #tpu.memory_space<hbm>> -> memref<1x100000xf32, #tpu.memory_space<hbm>>
    %dma_start3A_219 = tpu.memref_squeeze %dma_start3A_218 : memref<1x100000xf32, #tpu.memory_space<hbm>> -> memref<100000xf32, #tpu.memory_space<hbm>>
    %dma_start3A_220 = arith.constant 0 : i32
    %dma_start3A_221 = tpu.memref_slice %dma_start3A_219[%dma_start3A_220] : memref<100000xf32, #tpu.memory_space<hbm>> -> memref<100000xf32, #tpu.memory_space<hbm>>
    tpu.enqueue_indirect_dma source(%dma_start3A_221 : memref<100000xf32, #tpu.memory_space<hbm>>) target(%dma_start3A_216 : memref<128xf32, #tpu.memory_space<vmem>>) offsets(%arg5 : memref<128xi32, #tpu.memory_space<vmem>>) semaphore(%arg7 : memref<!tpu.dma_semaphore, #tpu.memory_space<semaphore_mem>>)
    %dma_start3A_222 = arith.constant 22 : i32
    %dma_start3A_223 = arith.constant 22 : i32
    %dma_start3A_224 = arith.constant 0 : i32
    %dma_start3A_225 = tpu.memref_slice %arg6[%dma_start3A_223, %dma_start3A_224] : memref<26x128xf32, #tpu.memory_space<vmem>> -> memref<1x128xf32, #tpu.memory_space<vmem>>
    %dma_start3A_226 = tpu.memref_squeeze %dma_start3A_225 : memref<1x128xf32, #tpu.memory_space<vmem>> -> memref<128xf32, #tpu.memory_space<vmem>>
    %dma_start3A_227 = arith.constant 0 : i32
    %dma_start3A_228 = tpu.memref_slice %arg3[%dma_start3A_222, %dma_start3A_227] : memref<26x100000xf32, #tpu.memory_space<hbm>> -> memref<1x100000xf32, #tpu.memory_space<hbm>>
    %dma_start3A_229 = tpu.memref_squeeze %dma_start3A_228 : memref<1x100000xf32, #tpu.memory_space<hbm>> -> memref<100000xf32, #tpu.memory_space<hbm>>
    %dma_start3A_230 = arith.constant 0 : i32
    %dma_start3A_231 = tpu.memref_slice %dma_start3A_229[%dma_start3A_230] : memref<100000xf32, #tpu.memory_space<hbm>> -> memref<100000xf32, #tpu.memory_space<hbm>>
    tpu.enqueue_indirect_dma source(%dma_start3A_231 : memref<100000xf32, #tpu.memory_space<hbm>>) target(%dma_start3A_226 : memref<128xf32, #tpu.memory_space<vmem>>) offsets(%arg5 : memref<128xi32, #tpu.memory_space<vmem>>) semaphore(%arg7 : memref<!tpu.dma_semaphore, #tpu.memory_space<semaphore_mem>>)
    %dma_start3A_232 = arith.constant 23 : i32
    %dma_start3A_233 = arith.constant 23 : i32
    %dma_start3A_234 = arith.constant 0 : i32
    %dma_start3A_235 = tpu.memref_slice %arg6[%dma_start3A_233, %dma_start3A_234] : memref<26x128xf32, #tpu.memory_space<vmem>> -> memref<1x128xf32, #tpu.memory_space<vmem>>
    %dma_start3A_236 = tpu.memref_squeeze %dma_start3A_235 : memref<1x128xf32, #tpu.memory_space<vmem>> -> memref<128xf32, #tpu.memory_space<vmem>>
    %dma_start3A_237 = arith.constant 0 : i32
    %dma_start3A_238 = tpu.memref_slice %arg3[%dma_start3A_232, %dma_start3A_237] : memref<26x100000xf32, #tpu.memory_space<hbm>> -> memref<1x100000xf32, #tpu.memory_space<hbm>>
    %dma_start3A_239 = tpu.memref_squeeze %dma_start3A_238 : memref<1x100000xf32, #tpu.memory_space<hbm>> -> memref<100000xf32, #tpu.memory_space<hbm>>
    %dma_start3A_240 = arith.constant 0 : i32
    %dma_start3A_241 = tpu.memref_slice %dma_start3A_239[%dma_start3A_240] : memref<100000xf32, #tpu.memory_space<hbm>> -> memref<100000xf32, #tpu.memory_space<hbm>>
    tpu.enqueue_indirect_dma source(%dma_start3A_241 : memref<100000xf32, #tpu.memory_space<hbm>>) target(%dma_start3A_236 : memref<128xf32, #tpu.memory_space<vmem>>) offsets(%arg5 : memref<128xi32, #tpu.memory_space<vmem>>) semaphore(%arg7 : memref<!tpu.dma_semaphore, #tpu.memory_space<semaphore_mem>>)
    %dma_start3A_242 = arith.constant 24 : i32
    %dma_start3A_243 = arith.constant 24 : i32
    %dma_start3A_244 = arith.constant 0 : i32
    %dma_start3A_245 = tpu.memref_slice %arg6[%dma_start3A_243, %dma_start3A_244] : memref<26x128xf32, #tpu.memory_space<vmem>> -> memref<1x128xf32, #tpu.memory_space<vmem>>
    %dma_start3A_246 = tpu.memref_squeeze %dma_start3A_245 : memref<1x128xf32, #tpu.memory_space<vmem>> -> memref<128xf32, #tpu.memory_space<vmem>>
    %dma_start3A_247 = arith.constant 0 : i32
    %dma_start3A_248 = tpu.memref_slice %arg3[%dma_start3A_242, %dma_start3A_247] : memref<26x100000xf32, #tpu.memory_space<hbm>> -> memref<1x100000xf32, #tpu.memory_space<hbm>>
    %dma_start3A_249 = tpu.memref_squeeze %dma_start3A_248 : memref<1x100000xf32, #tpu.memory_space<hbm>> -> memref<100000xf32, #tpu.memory_space<hbm>>
    %dma_start3A_250 = arith.constant 0 : i32
    %dma_start3A_251 = tpu.memref_slice %dma_start3A_249[%dma_start3A_250] : memref<100000xf32, #tpu.memory_space<hbm>> -> memref<100000xf32, #tpu.memory_space<hbm>>
    tpu.enqueue_indirect_dma source(%dma_start3A_251 : memref<100000xf32, #tpu.memory_space<hbm>>) target(%dma_start3A_246 : memref<128xf32, #tpu.memory_space<vmem>>) offsets(%arg5 : memref<128xi32, #tpu.memory_space<vmem>>) semaphore(%arg7 : memref<!tpu.dma_semaphore, #tpu.memory_space<semaphore_mem>>)
    %dma_start3A_252 = arith.constant 25 : i32
    %dma_start3A_253 = arith.constant 25 : i32
    %dma_start3A_254 = arith.constant 0 : i32
    %dma_start3A_255 = tpu.memref_slice %arg6[%dma_start3A_253, %dma_start3A_254] : memref<26x128xf32, #tpu.memory_space<vmem>> -> memref<1x128xf32, #tpu.memory_space<vmem>>
    %dma_start3A_256 = tpu.memref_squeeze %dma_start3A_255 : memref<1x128xf32, #tpu.memory_space<vmem>> -> memref<128xf32, #tpu.memory_space<vmem>>
    %dma_start3A_257 = arith.constant 0 : i32
    %dma_start3A_258 = tpu.memref_slice %arg3[%dma_start3A_252, %dma_start3A_257] : memref<26x100000xf32, #tpu.memory_space<hbm>> -> memref<1x100000xf32, #tpu.memory_space<hbm>>
    %dma_start3A_259 = tpu.memref_squeeze %dma_start3A_258 : memref<1x100000xf32, #tpu.memory_space<hbm>> -> memref<100000xf32, #tpu.memory_space<hbm>>
    %dma_start3A_260 = arith.constant 0 : i32
    %dma_start3A_261 = tpu.memref_slice %dma_start3A_259[%dma_start3A_260] : memref<100000xf32, #tpu.memory_space<hbm>> -> memref<100000xf32, #tpu.memory_space<hbm>>
    tpu.enqueue_indirect_dma source(%dma_start3A_261 : memref<100000xf32, #tpu.memory_space<hbm>>) target(%dma_start3A_256 : memref<128xf32, #tpu.memory_space<vmem>>) offsets(%arg5 : memref<128xi32, #tpu.memory_space<vmem>>) semaphore(%arg7 : memref<!tpu.dma_semaphore, #tpu.memory_space<semaphore_mem>>)
    %dma_wait3A = arith.constant 0 : i32
    %dma_wait3A_262 = arith.constant 0 : i32
    %dma_wait3A_263 = arith.constant 0 : i32
    %dma_wait3A_264 = tpu.memref_slice %arg6[%dma_wait3A_262, %dma_wait3A_263] : memref<26x128xf32, #tpu.memory_space<vmem>> -> memref<1x128xf32, #tpu.memory_space<vmem>>
    %dma_wait3A_265 = tpu.memref_squeeze %dma_wait3A_264 : memref<1x128xf32, #tpu.memory_space<vmem>> -> memref<128xf32, #tpu.memory_space<vmem>>
    %dma_wait3A_266 = arith.constant 0 : i32
    %dma_wait3A_267 = tpu.memref_slice %arg3[%dma_wait3A, %dma_wait3A_266] : memref<26x100000xf32, #tpu.memory_space<hbm>> -> memref<1x100000xf32, #tpu.memory_space<hbm>>
    %dma_wait3A_268 = tpu.memref_squeeze %dma_wait3A_267 : memref<1x100000xf32, #tpu.memory_space<hbm>> -> memref<100000xf32, #tpu.memory_space<hbm>>
    %dma_wait3A_269 = arith.constant 0 : i32
    %dma_wait3A_270 = tpu.memref_slice %dma_wait3A_268[%dma_wait3A_269] : memref<100000xf32, #tpu.memory_space<hbm>> -> memref<100000xf32, #tpu.memory_space<hbm>>
    tpu.wait_indirect_dma semaphore(%arg7 : memref<!tpu.dma_semaphore, #tpu.memory_space<semaphore_mem>>) src(%dma_wait3A_270 : memref<100000xf32, #tpu.memory_space<hbm>>) dst(%dma_wait3A_265 : memref<128xf32, #tpu.memory_space<vmem>>)
    %dma_wait3A_271 = arith.constant 1 : i32
    %dma_wait3A_272 = arith.constant 1 : i32
    %dma_wait3A_273 = arith.constant 0 : i32
    %dma_wait3A_274 = tpu.memref_slice %arg6[%dma_wait3A_272, %dma_wait3A_273] : memref<26x128xf32, #tpu.memory_space<vmem>> -> memref<1x128xf32, #tpu.memory_space<vmem>>
    %dma_wait3A_275 = tpu.memref_squeeze %dma_wait3A_274 : memref<1x128xf32, #tpu.memory_space<vmem>> -> memref<128xf32, #tpu.memory_space<vmem>>
    %dma_wait3A_276 = arith.constant 0 : i32
    %dma_wait3A_277 = tpu.memref_slice %arg3[%dma_wait3A_271, %dma_wait3A_276] : memref<26x100000xf32, #tpu.memory_space<hbm>> -> memref<1x100000xf32, #tpu.memory_space<hbm>>
    %dma_wait3A_278 = tpu.memref_squeeze %dma_wait3A_277 : memref<1x100000xf32, #tpu.memory_space<hbm>> -> memref<100000xf32, #tpu.memory_space<hbm>>
    %dma_wait3A_279 = arith.constant 0 : i32
    %dma_wait3A_280 = tpu.memref_slice %dma_wait3A_278[%dma_wait3A_279] : memref<100000xf32, #tpu.memory_space<hbm>> -> memref<100000xf32, #tpu.memory_space<hbm>>
    tpu.wait_indirect_dma semaphore(%arg7 : memref<!tpu.dma_semaphore, #tpu.memory_space<semaphore_mem>>) src(%dma_wait3A_280 : memref<100000xf32, #tpu.memory_space<hbm>>) dst(%dma_wait3A_275 : memref<128xf32, #tpu.memory_space<vmem>>)
    %dma_wait3A_281 = arith.constant 2 : i32
    %dma_wait3A_282 = arith.constant 2 : i32
    %dma_wait3A_283 = arith.constant 0 : i32
    %dma_wait3A_284 = tpu.memref_slice %arg6[%dma_wait3A_282, %dma_wait3A_283] : memref<26x128xf32, #tpu.memory_space<vmem>> -> memref<1x128xf32, #tpu.memory_space<vmem>>
    %dma_wait3A_285 = tpu.memref_squeeze %dma_wait3A_284 : memref<1x128xf32, #tpu.memory_space<vmem>> -> memref<128xf32, #tpu.memory_space<vmem>>
    %dma_wait3A_286 = arith.constant 0 : i32
    %dma_wait3A_287 = tpu.memref_slice %arg3[%dma_wait3A_281, %dma_wait3A_286] : memref<26x100000xf32, #tpu.memory_space<hbm>> -> memref<1x100000xf32, #tpu.memory_space<hbm>>
    %dma_wait3A_288 = tpu.memref_squeeze %dma_wait3A_287 : memref<1x100000xf32, #tpu.memory_space<hbm>> -> memref<100000xf32, #tpu.memory_space<hbm>>
    %dma_wait3A_289 = arith.constant 0 : i32
    %dma_wait3A_290 = tpu.memref_slice %dma_wait3A_288[%dma_wait3A_289] : memref<100000xf32, #tpu.memory_space<hbm>> -> memref<100000xf32, #tpu.memory_space<hbm>>
    tpu.wait_indirect_dma semaphore(%arg7 : memref<!tpu.dma_semaphore, #tpu.memory_space<semaphore_mem>>) src(%dma_wait3A_290 : memref<100000xf32, #tpu.memory_space<hbm>>) dst(%dma_wait3A_285 : memref<128xf32, #tpu.memory_space<vmem>>)
    %dma_wait3A_291 = arith.constant 3 : i32
    %dma_wait3A_292 = arith.constant 3 : i32
    %dma_wait3A_293 = arith.constant 0 : i32
    %dma_wait3A_294 = tpu.memref_slice %arg6[%dma_wait3A_292, %dma_wait3A_293] : memref<26x128xf32, #tpu.memory_space<vmem>> -> memref<1x128xf32, #tpu.memory_space<vmem>>
    %dma_wait3A_295 = tpu.memref_squeeze %dma_wait3A_294 : memref<1x128xf32, #tpu.memory_space<vmem>> -> memref<128xf32, #tpu.memory_space<vmem>>
    %dma_wait3A_296 = arith.constant 0 : i32
    %dma_wait3A_297 = tpu.memref_slice %arg3[%dma_wait3A_291, %dma_wait3A_296] : memref<26x100000xf32, #tpu.memory_space<hbm>> -> memref<1x100000xf32, #tpu.memory_space<hbm>>
    %dma_wait3A_298 = tpu.memref_squeeze %dma_wait3A_297 : memref<1x100000xf32, #tpu.memory_space<hbm>> -> memref<100000xf32, #tpu.memory_space<hbm>>
    %dma_wait3A_299 = arith.constant 0 : i32
    %dma_wait3A_300 = tpu.memref_slice %dma_wait3A_298[%dma_wait3A_299] : memref<100000xf32, #tpu.memory_space<hbm>> -> memref<100000xf32, #tpu.memory_space<hbm>>
    tpu.wait_indirect_dma semaphore(%arg7 : memref<!tpu.dma_semaphore, #tpu.memory_space<semaphore_mem>>) src(%dma_wait3A_300 : memref<100000xf32, #tpu.memory_space<hbm>>) dst(%dma_wait3A_295 : memref<128xf32, #tpu.memory_space<vmem>>)
    %dma_wait3A_301 = arith.constant 4 : i32
    %dma_wait3A_302 = arith.constant 4 : i32
    %dma_wait3A_303 = arith.constant 0 : i32
    %dma_wait3A_304 = tpu.memref_slice %arg6[%dma_wait3A_302, %dma_wait3A_303] : memref<26x128xf32, #tpu.memory_space<vmem>> -> memref<1x128xf32, #tpu.memory_space<vmem>>
    %dma_wait3A_305 = tpu.memref_squeeze %dma_wait3A_304 : memref<1x128xf32, #tpu.memory_space<vmem>> -> memref<128xf32, #tpu.memory_space<vmem>>
    %dma_wait3A_306 = arith.constant 0 : i32
    %dma_wait3A_307 = tpu.memref_slice %arg3[%dma_wait3A_301, %dma_wait3A_306] : memref<26x100000xf32, #tpu.memory_space<hbm>> -> memref<1x100000xf32, #tpu.memory_space<hbm>>
    %dma_wait3A_308 = tpu.memref_squeeze %dma_wait3A_307 : memref<1x100000xf32, #tpu.memory_space<hbm>> -> memref<100000xf32, #tpu.memory_space<hbm>>
    %dma_wait3A_309 = arith.constant 0 : i32
    %dma_wait3A_310 = tpu.memref_slice %dma_wait3A_308[%dma_wait3A_309] : memref<100000xf32, #tpu.memory_space<hbm>> -> memref<100000xf32, #tpu.memory_space<hbm>>
    tpu.wait_indirect_dma semaphore(%arg7 : memref<!tpu.dma_semaphore, #tpu.memory_space<semaphore_mem>>) src(%dma_wait3A_310 : memref<100000xf32, #tpu.memory_space<hbm>>) dst(%dma_wait3A_305 : memref<128xf32, #tpu.memory_space<vmem>>)
    %dma_wait3A_311 = arith.constant 5 : i32
    %dma_wait3A_312 = arith.constant 5 : i32
    %dma_wait3A_313 = arith.constant 0 : i32
    %dma_wait3A_314 = tpu.memref_slice %arg6[%dma_wait3A_312, %dma_wait3A_313] : memref<26x128xf32, #tpu.memory_space<vmem>> -> memref<1x128xf32, #tpu.memory_space<vmem>>
    %dma_wait3A_315 = tpu.memref_squeeze %dma_wait3A_314 : memref<1x128xf32, #tpu.memory_space<vmem>> -> memref<128xf32, #tpu.memory_space<vmem>>
    %dma_wait3A_316 = arith.constant 0 : i32
    %dma_wait3A_317 = tpu.memref_slice %arg3[%dma_wait3A_311, %dma_wait3A_316] : memref<26x100000xf32, #tpu.memory_space<hbm>> -> memref<1x100000xf32, #tpu.memory_space<hbm>>
    %dma_wait3A_318 = tpu.memref_squeeze %dma_wait3A_317 : memref<1x100000xf32, #tpu.memory_space<hbm>> -> memref<100000xf32, #tpu.memory_space<hbm>>
    %dma_wait3A_319 = arith.constant 0 : i32
    %dma_wait3A_320 = tpu.memref_slice %dma_wait3A_318[%dma_wait3A_319] : memref<100000xf32, #tpu.memory_space<hbm>> -> memref<100000xf32, #tpu.memory_space<hbm>>
    tpu.wait_indirect_dma semaphore(%arg7 : memref<!tpu.dma_semaphore, #tpu.memory_space<semaphore_mem>>) src(%dma_wait3A_320 : memref<100000xf32, #tpu.memory_space<hbm>>) dst(%dma_wait3A_315 : memref<128xf32, #tpu.memory_space<vmem>>)
    %dma_wait3A_321 = arith.constant 6 : i32
    %dma_wait3A_322 = arith.constant 6 : i32
    %dma_wait3A_323 = arith.constant 0 : i32
    %dma_wait3A_324 = tpu.memref_slice %arg6[%dma_wait3A_322, %dma_wait3A_323] : memref<26x128xf32, #tpu.memory_space<vmem>> -> memref<1x128xf32, #tpu.memory_space<vmem>>
    %dma_wait3A_325 = tpu.memref_squeeze %dma_wait3A_324 : memref<1x128xf32, #tpu.memory_space<vmem>> -> memref<128xf32, #tpu.memory_space<vmem>>
    %dma_wait3A_326 = arith.constant 0 : i32
    %dma_wait3A_327 = tpu.memref_slice %arg3[%dma_wait3A_321, %dma_wait3A_326] : memref<26x100000xf32, #tpu.memory_space<hbm>> -> memref<1x100000xf32, #tpu.memory_space<hbm>>
    %dma_wait3A_328 = tpu.memref_squeeze %dma_wait3A_327 : memref<1x100000xf32, #tpu.memory_space<hbm>> -> memref<100000xf32, #tpu.memory_space<hbm>>
    %dma_wait3A_329 = arith.constant 0 : i32
    %dma_wait3A_330 = tpu.memref_slice %dma_wait3A_328[%dma_wait3A_329] : memref<100000xf32, #tpu.memory_space<hbm>> -> memref<100000xf32, #tpu.memory_space<hbm>>
    tpu.wait_indirect_dma semaphore(%arg7 : memref<!tpu.dma_semaphore, #tpu.memory_space<semaphore_mem>>) src(%dma_wait3A_330 : memref<100000xf32, #tpu.memory_space<hbm>>) dst(%dma_wait3A_325 : memref<128xf32, #tpu.memory_space<vmem>>)
    %dma_wait3A_331 = arith.constant 7 : i32
    %dma_wait3A_332 = arith.constant 7 : i32
    %dma_wait3A_333 = arith.constant 0 : i32
    %dma_wait3A_334 = tpu.memref_slice %arg6[%dma_wait3A_332, %dma_wait3A_333] : memref<26x128xf32, #tpu.memory_space<vmem>> -> memref<1x128xf32, #tpu.memory_space<vmem>>
    %dma_wait3A_335 = tpu.memref_squeeze %dma_wait3A_334 : memref<1x128xf32, #tpu.memory_space<vmem>> -> memref<128xf32, #tpu.memory_space<vmem>>
    %dma_wait3A_336 = arith.constant 0 : i32
    %dma_wait3A_337 = tpu.memref_slice %arg3[%dma_wait3A_331, %dma_wait3A_336] : memref<26x100000xf32, #tpu.memory_space<hbm>> -> memref<1x100000xf32, #tpu.memory_space<hbm>>
    %dma_wait3A_338 = tpu.memref_squeeze %dma_wait3A_337 : memref<1x100000xf32, #tpu.memory_space<hbm>> -> memref<100000xf32, #tpu.memory_space<hbm>>
    %dma_wait3A_339 = arith.constant 0 : i32
    %dma_wait3A_340 = tpu.memref_slice %dma_wait3A_338[%dma_wait3A_339] : memref<100000xf32, #tpu.memory_space<hbm>> -> memref<100000xf32, #tpu.memory_space<hbm>>
    tpu.wait_indirect_dma semaphore(%arg7 : memref<!tpu.dma_semaphore, #tpu.memory_space<semaphore_mem>>) src(%dma_wait3A_340 : memref<100000xf32, #tpu.memory_space<hbm>>) dst(%dma_wait3A_335 : memref<128xf32, #tpu.memory_space<vmem>>)
    %dma_wait3A_341 = arith.constant 8 : i32
    %dma_wait3A_342 = arith.constant 8 : i32
    %dma_wait3A_343 = arith.constant 0 : i32
    %dma_wait3A_344 = tpu.memref_slice %arg6[%dma_wait3A_342, %dma_wait3A_343] : memref<26x128xf32, #tpu.memory_space<vmem>> -> memref<1x128xf32, #tpu.memory_space<vmem>>
    %dma_wait3A_345 = tpu.memref_squeeze %dma_wait3A_344 : memref<1x128xf32, #tpu.memory_space<vmem>> -> memref<128xf32, #tpu.memory_space<vmem>>
    %dma_wait3A_346 = arith.constant 0 : i32
    %dma_wait3A_347 = tpu.memref_slice %arg3[%dma_wait3A_341, %dma_wait3A_346] : memref<26x100000xf32, #tpu.memory_space<hbm>> -> memref<1x100000xf32, #tpu.memory_space<hbm>>
    %dma_wait3A_348 = tpu.memref_squeeze %dma_wait3A_347 : memref<1x100000xf32, #tpu.memory_space<hbm>> -> memref<100000xf32, #tpu.memory_space<hbm>>
    %dma_wait3A_349 = arith.constant 0 : i32
    %dma_wait3A_350 = tpu.memref_slice %dma_wait3A_348[%dma_wait3A_349] : memref<100000xf32, #tpu.memory_space<hbm>> -> memref<100000xf32, #tpu.memory_space<hbm>>
    tpu.wait_indirect_dma semaphore(%arg7 : memref<!tpu.dma_semaphore, #tpu.memory_space<semaphore_mem>>) src(%dma_wait3A_350 : memref<100000xf32, #tpu.memory_space<hbm>>) dst(%dma_wait3A_345 : memref<128xf32, #tpu.memory_space<vmem>>)
    %dma_wait3A_351 = arith.constant 9 : i32
    %dma_wait3A_352 = arith.constant 9 : i32
    %dma_wait3A_353 = arith.constant 0 : i32
    %dma_wait3A_354 = tpu.memref_slice %arg6[%dma_wait3A_352, %dma_wait3A_353] : memref<26x128xf32, #tpu.memory_space<vmem>> -> memref<1x128xf32, #tpu.memory_space<vmem>>
    %dma_wait3A_355 = tpu.memref_squeeze %dma_wait3A_354 : memref<1x128xf32, #tpu.memory_space<vmem>> -> memref<128xf32, #tpu.memory_space<vmem>>
    %dma_wait3A_356 = arith.constant 0 : i32
    %dma_wait3A_357 = tpu.memref_slice %arg3[%dma_wait3A_351, %dma_wait3A_356] : memref<26x100000xf32, #tpu.memory_space<hbm>> -> memref<1x100000xf32, #tpu.memory_space<hbm>>
    %dma_wait3A_358 = tpu.memref_squeeze %dma_wait3A_357 : memref<1x100000xf32, #tpu.memory_space<hbm>> -> memref<100000xf32, #tpu.memory_space<hbm>>
    %dma_wait3A_359 = arith.constant 0 : i32
    %dma_wait3A_360 = tpu.memref_slice %dma_wait3A_358[%dma_wait3A_359] : memref<100000xf32, #tpu.memory_space<hbm>> -> memref<100000xf32, #tpu.memory_space<hbm>>
    tpu.wait_indirect_dma semaphore(%arg7 : memref<!tpu.dma_semaphore, #tpu.memory_space<semaphore_mem>>) src(%dma_wait3A_360 : memref<100000xf32, #tpu.memory_space<hbm>>) dst(%dma_wait3A_355 : memref<128xf32, #tpu.memory_space<vmem>>)
    %dma_wait3A_361 = arith.constant 10 : i32
    %dma_wait3A_362 = arith.constant 10 : i32
    %dma_wait3A_363 = arith.constant 0 : i32
    %dma_wait3A_364 = tpu.memref_slice %arg6[%dma_wait3A_362, %dma_wait3A_363] : memref<26x128xf32, #tpu.memory_space<vmem>> -> memref<1x128xf32, #tpu.memory_space<vmem>>
    %dma_wait3A_365 = tpu.memref_squeeze %dma_wait3A_364 : memref<1x128xf32, #tpu.memory_space<vmem>> -> memref<128xf32, #tpu.memory_space<vmem>>
    %dma_wait3A_366 = arith.constant 0 : i32
    %dma_wait3A_367 = tpu.memref_slice %arg3[%dma_wait3A_361, %dma_wait3A_366] : memref<26x100000xf32, #tpu.memory_space<hbm>> -> memref<1x100000xf32, #tpu.memory_space<hbm>>
    %dma_wait3A_368 = tpu.memref_squeeze %dma_wait3A_367 : memref<1x100000xf32, #tpu.memory_space<hbm>> -> memref<100000xf32, #tpu.memory_space<hbm>>
    %dma_wait3A_369 = arith.constant 0 : i32
    %dma_wait3A_370 = tpu.memref_slice %dma_wait3A_368[%dma_wait3A_369] : memref<100000xf32, #tpu.memory_space<hbm>> -> memref<100000xf32, #tpu.memory_space<hbm>>
    tpu.wait_indirect_dma semaphore(%arg7 : memref<!tpu.dma_semaphore, #tpu.memory_space<semaphore_mem>>) src(%dma_wait3A_370 : memref<100000xf32, #tpu.memory_space<hbm>>) dst(%dma_wait3A_365 : memref<128xf32, #tpu.memory_space<vmem>>)
    %dma_wait3A_371 = arith.constant 11 : i32
    %dma_wait3A_372 = arith.constant 11 : i32
    %dma_wait3A_373 = arith.constant 0 : i32
    %dma_wait3A_374 = tpu.memref_slice %arg6[%dma_wait3A_372, %dma_wait3A_373] : memref<26x128xf32, #tpu.memory_space<vmem>> -> memref<1x128xf32, #tpu.memory_space<vmem>>
    %dma_wait3A_375 = tpu.memref_squeeze %dma_wait3A_374 : memref<1x128xf32, #tpu.memory_space<vmem>> -> memref<128xf32, #tpu.memory_space<vmem>>
    %dma_wait3A_376 = arith.constant 0 : i32
    %dma_wait3A_377 = tpu.memref_slice %arg3[%dma_wait3A_371, %dma_wait3A_376] : memref<26x100000xf32, #tpu.memory_space<hbm>> -> memref<1x100000xf32, #tpu.memory_space<hbm>>
    %dma_wait3A_378 = tpu.memref_squeeze %dma_wait3A_377 : memref<1x100000xf32, #tpu.memory_space<hbm>> -> memref<100000xf32, #tpu.memory_space<hbm>>
    %dma_wait3A_379 = arith.constant 0 : i32
    %dma_wait3A_380 = tpu.memref_slice %dma_wait3A_378[%dma_wait3A_379] : memref<100000xf32, #tpu.memory_space<hbm>> -> memref<100000xf32, #tpu.memory_space<hbm>>
    tpu.wait_indirect_dma semaphore(%arg7 : memref<!tpu.dma_semaphore, #tpu.memory_space<semaphore_mem>>) src(%dma_wait3A_380 : memref<100000xf32, #tpu.memory_space<hbm>>) dst(%dma_wait3A_375 : memref<128xf32, #tpu.memory_space<vmem>>)
    %dma_wait3A_381 = arith.constant 12 : i32
    %dma_wait3A_382 = arith.constant 12 : i32
    %dma_wait3A_383 = arith.constant 0 : i32
    %dma_wait3A_384 = tpu.memref_slice %arg6[%dma_wait3A_382, %dma_wait3A_383] : memref<26x128xf32, #tpu.memory_space<vmem>> -> memref<1x128xf32, #tpu.memory_space<vmem>>
    %dma_wait3A_385 = tpu.memref_squeeze %dma_wait3A_384 : memref<1x128xf32, #tpu.memory_space<vmem>> -> memref<128xf32, #tpu.memory_space<vmem>>
    %dma_wait3A_386 = arith.constant 0 : i32
    %dma_wait3A_387 = tpu.memref_slice %arg3[%dma_wait3A_381, %dma_wait3A_386] : memref<26x100000xf32, #tpu.memory_space<hbm>> -> memref<1x100000xf32, #tpu.memory_space<hbm>>
    %dma_wait3A_388 = tpu.memref_squeeze %dma_wait3A_387 : memref<1x100000xf32, #tpu.memory_space<hbm>> -> memref<100000xf32, #tpu.memory_space<hbm>>
    %dma_wait3A_389 = arith.constant 0 : i32
    %dma_wait3A_390 = tpu.memref_slice %dma_wait3A_388[%dma_wait3A_389] : memref<100000xf32, #tpu.memory_space<hbm>> -> memref<100000xf32, #tpu.memory_space<hbm>>
    tpu.wait_indirect_dma semaphore(%arg7 : memref<!tpu.dma_semaphore, #tpu.memory_space<semaphore_mem>>) src(%dma_wait3A_390 : memref<100000xf32, #tpu.memory_space<hbm>>) dst(%dma_wait3A_385 : memref<128xf32, #tpu.memory_space<vmem>>)
    %dma_wait3A_391 = arith.constant 13 : i32
    %dma_wait3A_392 = arith.constant 13 : i32
    %dma_wait3A_393 = arith.constant 0 : i32
    %dma_wait3A_394 = tpu.memref_slice %arg6[%dma_wait3A_392, %dma_wait3A_393] : memref<26x128xf32, #tpu.memory_space<vmem>> -> memref<1x128xf32, #tpu.memory_space<vmem>>
    %dma_wait3A_395 = tpu.memref_squeeze %dma_wait3A_394 : memref<1x128xf32, #tpu.memory_space<vmem>> -> memref<128xf32, #tpu.memory_space<vmem>>
    %dma_wait3A_396 = arith.constant 0 : i32
    %dma_wait3A_397 = tpu.memref_slice %arg3[%dma_wait3A_391, %dma_wait3A_396] : memref<26x100000xf32, #tpu.memory_space<hbm>> -> memref<1x100000xf32, #tpu.memory_space<hbm>>
    %dma_wait3A_398 = tpu.memref_squeeze %dma_wait3A_397 : memref<1x100000xf32, #tpu.memory_space<hbm>> -> memref<100000xf32, #tpu.memory_space<hbm>>
    %dma_wait3A_399 = arith.constant 0 : i32
    %dma_wait3A_400 = tpu.memref_slice %dma_wait3A_398[%dma_wait3A_399] : memref<100000xf32, #tpu.memory_space<hbm>> -> memref<100000xf32, #tpu.memory_space<hbm>>
    tpu.wait_indirect_dma semaphore(%arg7 : memref<!tpu.dma_semaphore, #tpu.memory_space<semaphore_mem>>) src(%dma_wait3A_400 : memref<100000xf32, #tpu.memory_space<hbm>>) dst(%dma_wait3A_395 : memref<128xf32, #tpu.memory_space<vmem>>)
    %dma_wait3A_401 = arith.constant 14 : i32
    %dma_wait3A_402 = arith.constant 14 : i32
    %dma_wait3A_403 = arith.constant 0 : i32
    %dma_wait3A_404 = tpu.memref_slice %arg6[%dma_wait3A_402, %dma_wait3A_403] : memref<26x128xf32, #tpu.memory_space<vmem>> -> memref<1x128xf32, #tpu.memory_space<vmem>>
    %dma_wait3A_405 = tpu.memref_squeeze %dma_wait3A_404 : memref<1x128xf32, #tpu.memory_space<vmem>> -> memref<128xf32, #tpu.memory_space<vmem>>
    %dma_wait3A_406 = arith.constant 0 : i32
    %dma_wait3A_407 = tpu.memref_slice %arg3[%dma_wait3A_401, %dma_wait3A_406] : memref<26x100000xf32, #tpu.memory_space<hbm>> -> memref<1x100000xf32, #tpu.memory_space<hbm>>
    %dma_wait3A_408 = tpu.memref_squeeze %dma_wait3A_407 : memref<1x100000xf32, #tpu.memory_space<hbm>> -> memref<100000xf32, #tpu.memory_space<hbm>>
    %dma_wait3A_409 = arith.constant 0 : i32
    %dma_wait3A_410 = tpu.memref_slice %dma_wait3A_408[%dma_wait3A_409] : memref<100000xf32, #tpu.memory_space<hbm>> -> memref<100000xf32, #tpu.memory_space<hbm>>
    tpu.wait_indirect_dma semaphore(%arg7 : memref<!tpu.dma_semaphore, #tpu.memory_space<semaphore_mem>>) src(%dma_wait3A_410 : memref<100000xf32, #tpu.memory_space<hbm>>) dst(%dma_wait3A_405 : memref<128xf32, #tpu.memory_space<vmem>>)
    %dma_wait3A_411 = arith.constant 15 : i32
    %dma_wait3A_412 = arith.constant 15 : i32
    %dma_wait3A_413 = arith.constant 0 : i32
    %dma_wait3A_414 = tpu.memref_slice %arg6[%dma_wait3A_412, %dma_wait3A_413] : memref<26x128xf32, #tpu.memory_space<vmem>> -> memref<1x128xf32, #tpu.memory_space<vmem>>
    %dma_wait3A_415 = tpu.memref_squeeze %dma_wait3A_414 : memref<1x128xf32, #tpu.memory_space<vmem>> -> memref<128xf32, #tpu.memory_space<vmem>>
    %dma_wait3A_416 = arith.constant 0 : i32
    %dma_wait3A_417 = tpu.memref_slice %arg3[%dma_wait3A_411, %dma_wait3A_416] : memref<26x100000xf32, #tpu.memory_space<hbm>> -> memref<1x100000xf32, #tpu.memory_space<hbm>>
    %dma_wait3A_418 = tpu.memref_squeeze %dma_wait3A_417 : memref<1x100000xf32, #tpu.memory_space<hbm>> -> memref<100000xf32, #tpu.memory_space<hbm>>
    %dma_wait3A_419 = arith.constant 0 : i32
    %dma_wait3A_420 = tpu.memref_slice %dma_wait3A_418[%dma_wait3A_419] : memref<100000xf32, #tpu.memory_space<hbm>> -> memref<100000xf32, #tpu.memory_space<hbm>>
    tpu.wait_indirect_dma semaphore(%arg7 : memref<!tpu.dma_semaphore, #tpu.memory_space<semaphore_mem>>) src(%dma_wait3A_420 : memref<100000xf32, #tpu.memory_space<hbm>>) dst(%dma_wait3A_415 : memref<128xf32, #tpu.memory_space<vmem>>)
    %dma_wait3A_421 = arith.constant 16 : i32
    %dma_wait3A_422 = arith.constant 16 : i32
    %dma_wait3A_423 = arith.constant 0 : i32
    %dma_wait3A_424 = tpu.memref_slice %arg6[%dma_wait3A_422, %dma_wait3A_423] : memref<26x128xf32, #tpu.memory_space<vmem>> -> memref<1x128xf32, #tpu.memory_space<vmem>>
    %dma_wait3A_425 = tpu.memref_squeeze %dma_wait3A_424 : memref<1x128xf32, #tpu.memory_space<vmem>> -> memref<128xf32, #tpu.memory_space<vmem>>
    %dma_wait3A_426 = arith.constant 0 : i32
    %dma_wait3A_427 = tpu.memref_slice %arg3[%dma_wait3A_421, %dma_wait3A_426] : memref<26x100000xf32, #tpu.memory_space<hbm>> -> memref<1x100000xf32, #tpu.memory_space<hbm>>
    %dma_wait3A_428 = tpu.memref_squeeze %dma_wait3A_427 : memref<1x100000xf32, #tpu.memory_space<hbm>> -> memref<100000xf32, #tpu.memory_space<hbm>>
    %dma_wait3A_429 = arith.constant 0 : i32
    %dma_wait3A_430 = tpu.memref_slice %dma_wait3A_428[%dma_wait3A_429] : memref<100000xf32, #tpu.memory_space<hbm>> -> memref<100000xf32, #tpu.memory_space<hbm>>
    tpu.wait_indirect_dma semaphore(%arg7 : memref<!tpu.dma_semaphore, #tpu.memory_space<semaphore_mem>>) src(%dma_wait3A_430 : memref<100000xf32, #tpu.memory_space<hbm>>) dst(%dma_wait3A_425 : memref<128xf32, #tpu.memory_space<vmem>>)
    %dma_wait3A_431 = arith.constant 17 : i32
    %dma_wait3A_432 = arith.constant 17 : i32
    %dma_wait3A_433 = arith.constant 0 : i32
    %dma_wait3A_434 = tpu.memref_slice %arg6[%dma_wait3A_432, %dma_wait3A_433] : memref<26x128xf32, #tpu.memory_space<vmem>> -> memref<1x128xf32, #tpu.memory_space<vmem>>
    %dma_wait3A_435 = tpu.memref_squeeze %dma_wait3A_434 : memref<1x128xf32, #tpu.memory_space<vmem>> -> memref<128xf32, #tpu.memory_space<vmem>>
    %dma_wait3A_436 = arith.constant 0 : i32
    %dma_wait3A_437 = tpu.memref_slice %arg3[%dma_wait3A_431, %dma_wait3A_436] : memref<26x100000xf32, #tpu.memory_space<hbm>> -> memref<1x100000xf32, #tpu.memory_space<hbm>>
    %dma_wait3A_438 = tpu.memref_squeeze %dma_wait3A_437 : memref<1x100000xf32, #tpu.memory_space<hbm>> -> memref<100000xf32, #tpu.memory_space<hbm>>
    %dma_wait3A_439 = arith.constant 0 : i32
    %dma_wait3A_440 = tpu.memref_slice %dma_wait3A_438[%dma_wait3A_439] : memref<100000xf32, #tpu.memory_space<hbm>> -> memref<100000xf32, #tpu.memory_space<hbm>>
    tpu.wait_indirect_dma semaphore(%arg7 : memref<!tpu.dma_semaphore, #tpu.memory_space<semaphore_mem>>) src(%dma_wait3A_440 : memref<100000xf32, #tpu.memory_space<hbm>>) dst(%dma_wait3A_435 : memref<128xf32, #tpu.memory_space<vmem>>)
    %dma_wait3A_441 = arith.constant 18 : i32
    %dma_wait3A_442 = arith.constant 18 : i32
    %dma_wait3A_443 = arith.constant 0 : i32
    %dma_wait3A_444 = tpu.memref_slice %arg6[%dma_wait3A_442, %dma_wait3A_443] : memref<26x128xf32, #tpu.memory_space<vmem>> -> memref<1x128xf32, #tpu.memory_space<vmem>>
    %dma_wait3A_445 = tpu.memref_squeeze %dma_wait3A_444 : memref<1x128xf32, #tpu.memory_space<vmem>> -> memref<128xf32, #tpu.memory_space<vmem>>
    %dma_wait3A_446 = arith.constant 0 : i32
    %dma_wait3A_447 = tpu.memref_slice %arg3[%dma_wait3A_441, %dma_wait3A_446] : memref<26x100000xf32, #tpu.memory_space<hbm>> -> memref<1x100000xf32, #tpu.memory_space<hbm>>
    %dma_wait3A_448 = tpu.memref_squeeze %dma_wait3A_447 : memref<1x100000xf32, #tpu.memory_space<hbm>> -> memref<100000xf32, #tpu.memory_space<hbm>>
    %dma_wait3A_449 = arith.constant 0 : i32
    %dma_wait3A_450 = tpu.memref_slice %dma_wait3A_448[%dma_wait3A_449] : memref<100000xf32, #tpu.memory_space<hbm>> -> memref<100000xf32, #tpu.memory_space<hbm>>
    tpu.wait_indirect_dma semaphore(%arg7 : memref<!tpu.dma_semaphore, #tpu.memory_space<semaphore_mem>>) src(%dma_wait3A_450 : memref<100000xf32, #tpu.memory_space<hbm>>) dst(%dma_wait3A_445 : memref<128xf32, #tpu.memory_space<vmem>>)
    %dma_wait3A_451 = arith.constant 19 : i32
    %dma_wait3A_452 = arith.constant 19 : i32
    %dma_wait3A_453 = arith.constant 0 : i32
    %dma_wait3A_454 = tpu.memref_slice %arg6[%dma_wait3A_452, %dma_wait3A_453] : memref<26x128xf32, #tpu.memory_space<vmem>> -> memref<1x128xf32, #tpu.memory_space<vmem>>
    %dma_wait3A_455 = tpu.memref_squeeze %dma_wait3A_454 : memref<1x128xf32, #tpu.memory_space<vmem>> -> memref<128xf32, #tpu.memory_space<vmem>>
    %dma_wait3A_456 = arith.constant 0 : i32
    %dma_wait3A_457 = tpu.memref_slice %arg3[%dma_wait3A_451, %dma_wait3A_456] : memref<26x100000xf32, #tpu.memory_space<hbm>> -> memref<1x100000xf32, #tpu.memory_space<hbm>>
    %dma_wait3A_458 = tpu.memref_squeeze %dma_wait3A_457 : memref<1x100000xf32, #tpu.memory_space<hbm>> -> memref<100000xf32, #tpu.memory_space<hbm>>
    %dma_wait3A_459 = arith.constant 0 : i32
    %dma_wait3A_460 = tpu.memref_slice %dma_wait3A_458[%dma_wait3A_459] : memref<100000xf32, #tpu.memory_space<hbm>> -> memref<100000xf32, #tpu.memory_space<hbm>>
    tpu.wait_indirect_dma semaphore(%arg7 : memref<!tpu.dma_semaphore, #tpu.memory_space<semaphore_mem>>) src(%dma_wait3A_460 : memref<100000xf32, #tpu.memory_space<hbm>>) dst(%dma_wait3A_455 : memref<128xf32, #tpu.memory_space<vmem>>)
    %dma_wait3A_461 = arith.constant 20 : i32
    %dma_wait3A_462 = arith.constant 20 : i32
    %dma_wait3A_463 = arith.constant 0 : i32
    %dma_wait3A_464 = tpu.memref_slice %arg6[%dma_wait3A_462, %dma_wait3A_463] : memref<26x128xf32, #tpu.memory_space<vmem>> -> memref<1x128xf32, #tpu.memory_space<vmem>>
    %dma_wait3A_465 = tpu.memref_squeeze %dma_wait3A_464 : memref<1x128xf32, #tpu.memory_space<vmem>> -> memref<128xf32, #tpu.memory_space<vmem>>
    %dma_wait3A_466 = arith.constant 0 : i32
    %dma_wait3A_467 = tpu.memref_slice %arg3[%dma_wait3A_461, %dma_wait3A_466] : memref<26x100000xf32, #tpu.memory_space<hbm>> -> memref<1x100000xf32, #tpu.memory_space<hbm>>
    %dma_wait3A_468 = tpu.memref_squeeze %dma_wait3A_467 : memref<1x100000xf32, #tpu.memory_space<hbm>> -> memref<100000xf32, #tpu.memory_space<hbm>>
    %dma_wait3A_469 = arith.constant 0 : i32
    %dma_wait3A_470 = tpu.memref_slice %dma_wait3A_468[%dma_wait3A_469] : memref<100000xf32, #tpu.memory_space<hbm>> -> memref<100000xf32, #tpu.memory_space<hbm>>
    tpu.wait_indirect_dma semaphore(%arg7 : memref<!tpu.dma_semaphore, #tpu.memory_space<semaphore_mem>>) src(%dma_wait3A_470 : memref<100000xf32, #tpu.memory_space<hbm>>) dst(%dma_wait3A_465 : memref<128xf32, #tpu.memory_space<vmem>>)
    %dma_wait3A_471 = arith.constant 21 : i32
    %dma_wait3A_472 = arith.constant 21 : i32
    %dma_wait3A_473 = arith.constant 0 : i32
    %dma_wait3A_474 = tpu.memref_slice %arg6[%dma_wait3A_472, %dma_wait3A_473] : memref<26x128xf32, #tpu.memory_space<vmem>> -> memref<1x128xf32, #tpu.memory_space<vmem>>
    %dma_wait3A_475 = tpu.memref_squeeze %dma_wait3A_474 : memref<1x128xf32, #tpu.memory_space<vmem>> -> memref<128xf32, #tpu.memory_space<vmem>>
    %dma_wait3A_476 = arith.constant 0 : i32
    %dma_wait3A_477 = tpu.memref_slice %arg3[%dma_wait3A_471, %dma_wait3A_476] : memref<26x100000xf32, #tpu.memory_space<hbm>> -> memref<1x100000xf32, #tpu.memory_space<hbm>>
    %dma_wait3A_478 = tpu.memref_squeeze %dma_wait3A_477 : memref<1x100000xf32, #tpu.memory_space<hbm>> -> memref<100000xf32, #tpu.memory_space<hbm>>
    %dma_wait3A_479 = arith.constant 0 : i32
    %dma_wait3A_480 = tpu.memref_slice %dma_wait3A_478[%dma_wait3A_479] : memref<100000xf32, #tpu.memory_space<hbm>> -> memref<100000xf32, #tpu.memory_space<hbm>>
    tpu.wait_indirect_dma semaphore(%arg7 : memref<!tpu.dma_semaphore, #tpu.memory_space<semaphore_mem>>) src(%dma_wait3A_480 : memref<100000xf32, #tpu.memory_space<hbm>>) dst(%dma_wait3A_475 : memref<128xf32, #tpu.memory_space<vmem>>)
    %dma_wait3A_481 = arith.constant 22 : i32
    %dma_wait3A_482 = arith.constant 22 : i32
    %dma_wait3A_483 = arith.constant 0 : i32
    %dma_wait3A_484 = tpu.memref_slice %arg6[%dma_wait3A_482, %dma_wait3A_483] : memref<26x128xf32, #tpu.memory_space<vmem>> -> memref<1x128xf32, #tpu.memory_space<vmem>>
    %dma_wait3A_485 = tpu.memref_squeeze %dma_wait3A_484 : memref<1x128xf32, #tpu.memory_space<vmem>> -> memref<128xf32, #tpu.memory_space<vmem>>
    %dma_wait3A_486 = arith.constant 0 : i32
    %dma_wait3A_487 = tpu.memref_slice %arg3[%dma_wait3A_481, %dma_wait3A_486] : memref<26x100000xf32, #tpu.memory_space<hbm>> -> memref<1x100000xf32, #tpu.memory_space<hbm>>
    %dma_wait3A_488 = tpu.memref_squeeze %dma_wait3A_487 : memref<1x100000xf32, #tpu.memory_space<hbm>> -> memref<100000xf32, #tpu.memory_space<hbm>>
    %dma_wait3A_489 = arith.constant 0 : i32
    %dma_wait3A_490 = tpu.memref_slice %dma_wait3A_488[%dma_wait3A_489] : memref<100000xf32, #tpu.memory_space<hbm>> -> memref<100000xf32, #tpu.memory_space<hbm>>
    tpu.wait_indirect_dma semaphore(%arg7 : memref<!tpu.dma_semaphore, #tpu.memory_space<semaphore_mem>>) src(%dma_wait3A_490 : memref<100000xf32, #tpu.memory_space<hbm>>) dst(%dma_wait3A_485 : memref<128xf32, #tpu.memory_space<vmem>>)
    %dma_wait3A_491 = arith.constant 23 : i32
    %dma_wait3A_492 = arith.constant 23 : i32
    %dma_wait3A_493 = arith.constant 0 : i32
    %dma_wait3A_494 = tpu.memref_slice %arg6[%dma_wait3A_492, %dma_wait3A_493] : memref<26x128xf32, #tpu.memory_space<vmem>> -> memref<1x128xf32, #tpu.memory_space<vmem>>
    %dma_wait3A_495 = tpu.memref_squeeze %dma_wait3A_494 : memref<1x128xf32, #tpu.memory_space<vmem>> -> memref<128xf32, #tpu.memory_space<vmem>>
    %dma_wait3A_496 = arith.constant 0 : i32
    %dma_wait3A_497 = tpu.memref_slice %arg3[%dma_wait3A_491, %dma_wait3A_496] : memref<26x100000xf32, #tpu.memory_space<hbm>> -> memref<1x100000xf32, #tpu.memory_space<hbm>>
    %dma_wait3A_498 = tpu.memref_squeeze %dma_wait3A_497 : memref<1x100000xf32, #tpu.memory_space<hbm>> -> memref<100000xf32, #tpu.memory_space<hbm>>
    %dma_wait3A_499 = arith.constant 0 : i32
    %dma_wait3A_500 = tpu.memref_slice %dma_wait3A_498[%dma_wait3A_499] : memref<100000xf32, #tpu.memory_space<hbm>> -> memref<100000xf32, #tpu.memory_space<hbm>>
    tpu.wait_indirect_dma semaphore(%arg7 : memref<!tpu.dma_semaphore, #tpu.memory_space<semaphore_mem>>) src(%dma_wait3A_500 : memref<100000xf32, #tpu.memory_space<hbm>>) dst(%dma_wait3A_495 : memref<128xf32, #tpu.memory_space<vmem>>)
    %dma_wait3A_501 = arith.constant 24 : i32
    %dma_wait3A_502 = arith.constant 24 : i32
    %dma_wait3A_503 = arith.constant 0 : i32
    %dma_wait3A_504 = tpu.memref_slice %arg6[%dma_wait3A_502, %dma_wait3A_503] : memref<26x128xf32, #tpu.memory_space<vmem>> -> memref<1x128xf32, #tpu.memory_space<vmem>>
    %dma_wait3A_505 = tpu.memref_squeeze %dma_wait3A_504 : memref<1x128xf32, #tpu.memory_space<vmem>> -> memref<128xf32, #tpu.memory_space<vmem>>
    %dma_wait3A_506 = arith.constant 0 : i32
    %dma_wait3A_507 = tpu.memref_slice %arg3[%dma_wait3A_501, %dma_wait3A_506] : memref<26x100000xf32, #tpu.memory_space<hbm>> -> memref<1x100000xf32, #tpu.memory_space<hbm>>
    %dma_wait3A_508 = tpu.memref_squeeze %dma_wait3A_507 : memref<1x100000xf32, #tpu.memory_space<hbm>> -> memref<100000xf32, #tpu.memory_space<hbm>>
    %dma_wait3A_509 = arith.constant 0 : i32
    %dma_wait3A_510 = tpu.memref_slice %dma_wait3A_508[%dma_wait3A_509] : memref<100000xf32, #tpu.memory_space<hbm>> -> memref<100000xf32, #tpu.memory_space<hbm>>
    tpu.wait_indirect_dma semaphore(%arg7 : memref<!tpu.dma_semaphore, #tpu.memory_space<semaphore_mem>>) src(%dma_wait3A_510 : memref<100000xf32, #tpu.memory_space<hbm>>) dst(%dma_wait3A_505 : memref<128xf32, #tpu.memory_space<vmem>>)
    %dma_wait3A_511 = arith.constant 25 : i32
    %dma_wait3A_512 = arith.constant 25 : i32
    %dma_wait3A_513 = arith.constant 0 : i32
    %dma_wait3A_514 = tpu.memref_slice %arg6[%dma_wait3A_512, %dma_wait3A_513] : memref<26x128xf32, #tpu.memory_space<vmem>> -> memref<1x128xf32, #tpu.memory_space<vmem>>
    %dma_wait3A_515 = tpu.memref_squeeze %dma_wait3A_514 : memref<1x128xf32, #tpu.memory_space<vmem>> -> memref<128xf32, #tpu.memory_space<vmem>>
    %dma_wait3A_516 = arith.constant 0 : i32
    %dma_wait3A_517 = tpu.memref_slice %arg3[%dma_wait3A_511, %dma_wait3A_516] : memref<26x100000xf32, #tpu.memory_space<hbm>> -> memref<1x100000xf32, #tpu.memory_space<hbm>>
    %dma_wait3A_518 = tpu.memref_squeeze %dma_wait3A_517 : memref<1x100000xf32, #tpu.memory_space<hbm>> -> memref<100000xf32, #tpu.memory_space<hbm>>
    %dma_wait3A_519 = arith.constant 0 : i32
    %dma_wait3A_520 = tpu.memref_slice %dma_wait3A_518[%dma_wait3A_519] : memref<100000xf32, #tpu.memory_space<hbm>> -> memref<100000xf32, #tpu.memory_space<hbm>>
    tpu.wait_indirect_dma semaphore(%arg7 : memref<!tpu.dma_semaphore, #tpu.memory_space<semaphore_mem>>) src(%dma_wait3A_520 : memref<100000xf32, #tpu.memory_space<hbm>>) dst(%dma_wait3A_515 : memref<128xf32, #tpu.memory_space<vmem>>)
    "tpu.region"() ({
      %run_scoped3A = tpu.sem_alloc : memref<!tpu.dma_semaphore, #tpu.memory_space<semaphore_mem>>
      %dma_start3A_521 = arith.constant 0 : i32
      %dma_start3A_522 = tpu.memref_slice %arg4[%dma_start3A_521, %mul3A_2] : memref<26x4096xf32, #tpu.memory_space<hbm>> -> memref<26x128xf32, #tpu.memory_space<hbm>>
      %dma_start3A_523 = arith.constant 0 : i32
      %dma_start3A_524 = tpu.memref_slice %arg4[%dma_start3A_523, %mul3A_2] : memref<26x4096xf32, #tpu.memory_space<hbm>> -> memref<26x128xf32, #tpu.memory_space<hbm>>
      tpu.enqueue_dma source(%arg6 : memref<26x128xf32, #tpu.memory_space<vmem>>) target(%dma_start3A_524 : memref<26x128xf32, #tpu.memory_space<hbm>>) target_semaphore(%run_scoped3A : memref<!tpu.dma_semaphore, #tpu.memory_space<semaphore_mem>>)
      %dma_wait3A_525 = arith.constant 0 : i32
      %dma_wait3A_526 = tpu.memref_slice %arg4[%dma_wait3A_525, %mul3A_2] : memref<26x4096xf32, #tpu.memory_space<hbm>> -> memref<26x128xf32, #tpu.memory_space<hbm>>
      %dma_wait3A_527 = arith.constant 0 : i32
      %dma_wait3A_528 = tpu.memref_slice %arg4[%dma_wait3A_527, %mul3A_2] : memref<26x4096xf32, #tpu.memory_space<hbm>> -> memref<26x128xf32, #tpu.memory_space<hbm>>
      tpu.wait_dma2 semaphore(%run_scoped3A : memref<!tpu.dma_semaphore, #tpu.memory_space<semaphore_mem>>) src(%arg6 : memref<26x128xf32, #tpu.memory_space<vmem>>) dst(%dma_wait3A_528 : memref<26x128xf32, #tpu.memory_space<hbm>>)
      tpu.yield
    }) : () -> ()
    return
  }
}

module attributes {stable_mosaic.version = 14 : i64} {
  func.func @_pool_body(%arg0: i32, %arg1: memref<26x1024xf32, #tpu.memory_space<vmem>>, %arg2: memref<26x64x1024xf32, #tpu.memory_space<vmem>>, %arg3: memref<64x1024xf32, #tpu.memory_space<vmem>>) attributes {dimension_semantics = [#tpu.dimension_semantics<arbitrary>], iteration_bounds = array<i64: 4>, scalar_prefetch = 0 : i64, scratch_operands = 0 : i64, tpu.core_type = #tpu.core_type<tc>, window_params = [{transform_indices = @transform_0, window_bounds = array<i64: 26, 1024>}, {transform_indices = @transform_1, window_bounds = array<i64: 26, 64, 1024>}, {transform_indices = @transform_2, window_bounds = array<i64: 64, 1024>}]} {
    %get3A = arith.constant 0 : index
    %get3A_0 = arith.constant 0 : index
    %get3A_1 = vector.load %arg1[%get3A, %get3A_0] : memref<26x1024xf32, #tpu.memory_space<vmem>>, vector<26x1024xf32>
    %reduce_max3A = arith.constant dense<0xFF800000> : vector<1024xf32>
    %reduce_max3A_2 = vector.multi_reduction <maximumf>, %get3A_1, %reduce_max3A [0] : vector<26x1024xf32> to vector<1024xf32>
    %broadcast_in_dim3A = vector.shape_cast %reduce_max3A_2 : vector<1024xf32> to vector<1x1024xf32>
    %sub3A = vector.broadcast %broadcast_in_dim3A : vector<1x1024xf32> to vector<26x1024xf32>
    %sub3A_3 = arith.subf %get3A_1, %sub3A : vector<26x1024xf32>
    %exp3A = math.exp %sub3A_3 : vector<26x1024xf32>
    %reduce_sum3A = arith.constant dense<0.000000e+00> : vector<1024xf32>
    %reduce_sum3A_4 = vector.multi_reduction <add>, %exp3A, %reduce_sum3A [0] : vector<26x1024xf32> to vector<1024xf32>
    %broadcast_in_dim3A_5 = vector.shape_cast %reduce_sum3A_4 : vector<1024xf32> to vector<1x1024xf32>
    %div3A = vector.broadcast %broadcast_in_dim3A_5 : vector<1x1024xf32> to vector<26x1024xf32>
    %div3A_6 = arith.divf %exp3A, %div3A : vector<26x1024xf32>
    %get3A_7 = arith.constant 0 : index
    %get3A_8 = arith.constant 0 : index
    %get3A_9 = arith.constant 0 : index
    %get3A_10 = vector.load %arg2[%get3A_7, %get3A_8, %get3A_9] : memref<26x64x1024xf32, #tpu.memory_space<vmem>>, vector<1x64x1024xf32>
    %get3A_11 = vector.shape_cast %get3A_10 : vector<1x64x1024xf32> to vector<64x1024xf32>
    %slice3A = vector.extract_strided_slice %div3A_6 {offsets = [0, 0], sizes = [1, 1024], strides = [1, 1]} : vector<26x1024xf32> to vector<1x1024xf32>
    %mul3A = vector.broadcast %slice3A : vector<1x1024xf32> to vector<64x1024xf32>
    %mul3A_12 = arith.mulf %get3A_11, %mul3A : vector<64x1024xf32>
    %get3A_13 = arith.constant 1 : index
    %get3A_14 = arith.constant 0 : index
    %get3A_15 = arith.constant 0 : index
    %get3A_16 = vector.load %arg2[%get3A_13, %get3A_14, %get3A_15] : memref<26x64x1024xf32, #tpu.memory_space<vmem>>, vector<1x64x1024xf32>
    %get3A_17 = vector.shape_cast %get3A_16 : vector<1x64x1024xf32> to vector<64x1024xf32>
    %slice3A_18 = vector.extract_strided_slice %div3A_6 {offsets = [1, 0], sizes = [1, 1024], strides = [1, 1]} : vector<26x1024xf32> to vector<1x1024xf32>
    %mul3A_19 = vector.broadcast %slice3A_18 : vector<1x1024xf32> to vector<64x1024xf32>
    %mul3A_20 = arith.mulf %get3A_17, %mul3A_19 : vector<64x1024xf32>
    %add3A = arith.addf %mul3A_12, %mul3A_20 : vector<64x1024xf32>
    %get3A_21 = arith.constant 2 : index
    %get3A_22 = arith.constant 0 : index
    %get3A_23 = arith.constant 0 : index
    %get3A_24 = vector.load %arg2[%get3A_21, %get3A_22, %get3A_23] : memref<26x64x1024xf32, #tpu.memory_space<vmem>>, vector<1x64x1024xf32>
    %get3A_25 = vector.shape_cast %get3A_24 : vector<1x64x1024xf32> to vector<64x1024xf32>
    %slice3A_26 = vector.extract_strided_slice %div3A_6 {offsets = [2, 0], sizes = [1, 1024], strides = [1, 1]} : vector<26x1024xf32> to vector<1x1024xf32>
    %mul3A_27 = vector.broadcast %slice3A_26 : vector<1x1024xf32> to vector<64x1024xf32>
    %mul3A_28 = arith.mulf %get3A_25, %mul3A_27 : vector<64x1024xf32>
    %add3A_29 = arith.addf %add3A, %mul3A_28 : vector<64x1024xf32>
    %get3A_30 = arith.constant 3 : index
    %get3A_31 = arith.constant 0 : index
    %get3A_32 = arith.constant 0 : index
    %get3A_33 = vector.load %arg2[%get3A_30, %get3A_31, %get3A_32] : memref<26x64x1024xf32, #tpu.memory_space<vmem>>, vector<1x64x1024xf32>
    %get3A_34 = vector.shape_cast %get3A_33 : vector<1x64x1024xf32> to vector<64x1024xf32>
    %slice3A_35 = vector.extract_strided_slice %div3A_6 {offsets = [3, 0], sizes = [1, 1024], strides = [1, 1]} : vector<26x1024xf32> to vector<1x1024xf32>
    %mul3A_36 = vector.broadcast %slice3A_35 : vector<1x1024xf32> to vector<64x1024xf32>
    %mul3A_37 = arith.mulf %get3A_34, %mul3A_36 : vector<64x1024xf32>
    %add3A_38 = arith.addf %add3A_29, %mul3A_37 : vector<64x1024xf32>
    %get3A_39 = arith.constant 4 : index
    %get3A_40 = arith.constant 0 : index
    %get3A_41 = arith.constant 0 : index
    %get3A_42 = vector.load %arg2[%get3A_39, %get3A_40, %get3A_41] : memref<26x64x1024xf32, #tpu.memory_space<vmem>>, vector<1x64x1024xf32>
    %get3A_43 = vector.shape_cast %get3A_42 : vector<1x64x1024xf32> to vector<64x1024xf32>
    %slice3A_44 = vector.extract_strided_slice %div3A_6 {offsets = [4, 0], sizes = [1, 1024], strides = [1, 1]} : vector<26x1024xf32> to vector<1x1024xf32>
    %mul3A_45 = vector.broadcast %slice3A_44 : vector<1x1024xf32> to vector<64x1024xf32>
    %mul3A_46 = arith.mulf %get3A_43, %mul3A_45 : vector<64x1024xf32>
    %add3A_47 = arith.addf %add3A_38, %mul3A_46 : vector<64x1024xf32>
    %get3A_48 = arith.constant 5 : index
    %get3A_49 = arith.constant 0 : index
    %get3A_50 = arith.constant 0 : index
    %get3A_51 = vector.load %arg2[%get3A_48, %get3A_49, %get3A_50] : memref<26x64x1024xf32, #tpu.memory_space<vmem>>, vector<1x64x1024xf32>
    %get3A_52 = vector.shape_cast %get3A_51 : vector<1x64x1024xf32> to vector<64x1024xf32>
    %slice3A_53 = vector.extract_strided_slice %div3A_6 {offsets = [5, 0], sizes = [1, 1024], strides = [1, 1]} : vector<26x1024xf32> to vector<1x1024xf32>
    %mul3A_54 = vector.broadcast %slice3A_53 : vector<1x1024xf32> to vector<64x1024xf32>
    %mul3A_55 = arith.mulf %get3A_52, %mul3A_54 : vector<64x1024xf32>
    %add3A_56 = arith.addf %add3A_47, %mul3A_55 : vector<64x1024xf32>
    %get3A_57 = arith.constant 6 : index
    %get3A_58 = arith.constant 0 : index
    %get3A_59 = arith.constant 0 : index
    %get3A_60 = vector.load %arg2[%get3A_57, %get3A_58, %get3A_59] : memref<26x64x1024xf32, #tpu.memory_space<vmem>>, vector<1x64x1024xf32>
    %get3A_61 = vector.shape_cast %get3A_60 : vector<1x64x1024xf32> to vector<64x1024xf32>
    %slice3A_62 = vector.extract_strided_slice %div3A_6 {offsets = [6, 0], sizes = [1, 1024], strides = [1, 1]} : vector<26x1024xf32> to vector<1x1024xf32>
    %mul3A_63 = vector.broadcast %slice3A_62 : vector<1x1024xf32> to vector<64x1024xf32>
    %mul3A_64 = arith.mulf %get3A_61, %mul3A_63 : vector<64x1024xf32>
    %add3A_65 = arith.addf %add3A_56, %mul3A_64 : vector<64x1024xf32>
    %get3A_66 = arith.constant 7 : index
    %get3A_67 = arith.constant 0 : index
    %get3A_68 = arith.constant 0 : index
    %get3A_69 = vector.load %arg2[%get3A_66, %get3A_67, %get3A_68] : memref<26x64x1024xf32, #tpu.memory_space<vmem>>, vector<1x64x1024xf32>
    %get3A_70 = vector.shape_cast %get3A_69 : vector<1x64x1024xf32> to vector<64x1024xf32>
    %slice3A_71 = vector.extract_strided_slice %div3A_6 {offsets = [7, 0], sizes = [1, 1024], strides = [1, 1]} : vector<26x1024xf32> to vector<1x1024xf32>
    %mul3A_72 = vector.broadcast %slice3A_71 : vector<1x1024xf32> to vector<64x1024xf32>
    %mul3A_73 = arith.mulf %get3A_70, %mul3A_72 : vector<64x1024xf32>
    %add3A_74 = arith.addf %add3A_65, %mul3A_73 : vector<64x1024xf32>
    %get3A_75 = arith.constant 8 : index
    %get3A_76 = arith.constant 0 : index
    %get3A_77 = arith.constant 0 : index
    %get3A_78 = vector.load %arg2[%get3A_75, %get3A_76, %get3A_77] : memref<26x64x1024xf32, #tpu.memory_space<vmem>>, vector<1x64x1024xf32>
    %get3A_79 = vector.shape_cast %get3A_78 : vector<1x64x1024xf32> to vector<64x1024xf32>
    %slice3A_80 = vector.extract_strided_slice %div3A_6 {offsets = [8, 0], sizes = [1, 1024], strides = [1, 1]} : vector<26x1024xf32> to vector<1x1024xf32>
    %mul3A_81 = vector.broadcast %slice3A_80 : vector<1x1024xf32> to vector<64x1024xf32>
    %mul3A_82 = arith.mulf %get3A_79, %mul3A_81 : vector<64x1024xf32>
    %add3A_83 = arith.addf %add3A_74, %mul3A_82 : vector<64x1024xf32>
    %get3A_84 = arith.constant 9 : index
    %get3A_85 = arith.constant 0 : index
    %get3A_86 = arith.constant 0 : index
    %get3A_87 = vector.load %arg2[%get3A_84, %get3A_85, %get3A_86] : memref<26x64x1024xf32, #tpu.memory_space<vmem>>, vector<1x64x1024xf32>
    %get3A_88 = vector.shape_cast %get3A_87 : vector<1x64x1024xf32> to vector<64x1024xf32>
    %slice3A_89 = vector.extract_strided_slice %div3A_6 {offsets = [9, 0], sizes = [1, 1024], strides = [1, 1]} : vector<26x1024xf32> to vector<1x1024xf32>
    %mul3A_90 = vector.broadcast %slice3A_89 : vector<1x1024xf32> to vector<64x1024xf32>
    %mul3A_91 = arith.mulf %get3A_88, %mul3A_90 : vector<64x1024xf32>
    %add3A_92 = arith.addf %add3A_83, %mul3A_91 : vector<64x1024xf32>
    %get3A_93 = arith.constant 10 : index
    %get3A_94 = arith.constant 0 : index
    %get3A_95 = arith.constant 0 : index
    %get3A_96 = vector.load %arg2[%get3A_93, %get3A_94, %get3A_95] : memref<26x64x1024xf32, #tpu.memory_space<vmem>>, vector<1x64x1024xf32>
    %get3A_97 = vector.shape_cast %get3A_96 : vector<1x64x1024xf32> to vector<64x1024xf32>
    %slice3A_98 = vector.extract_strided_slice %div3A_6 {offsets = [10, 0], sizes = [1, 1024], strides = [1, 1]} : vector<26x1024xf32> to vector<1x1024xf32>
    %mul3A_99 = vector.broadcast %slice3A_98 : vector<1x1024xf32> to vector<64x1024xf32>
    %mul3A_100 = arith.mulf %get3A_97, %mul3A_99 : vector<64x1024xf32>
    %add3A_101 = arith.addf %add3A_92, %mul3A_100 : vector<64x1024xf32>
    %get3A_102 = arith.constant 11 : index
    %get3A_103 = arith.constant 0 : index
    %get3A_104 = arith.constant 0 : index
    %get3A_105 = vector.load %arg2[%get3A_102, %get3A_103, %get3A_104] : memref<26x64x1024xf32, #tpu.memory_space<vmem>>, vector<1x64x1024xf32>
    %get3A_106 = vector.shape_cast %get3A_105 : vector<1x64x1024xf32> to vector<64x1024xf32>
    %slice3A_107 = vector.extract_strided_slice %div3A_6 {offsets = [11, 0], sizes = [1, 1024], strides = [1, 1]} : vector<26x1024xf32> to vector<1x1024xf32>
    %mul3A_108 = vector.broadcast %slice3A_107 : vector<1x1024xf32> to vector<64x1024xf32>
    %mul3A_109 = arith.mulf %get3A_106, %mul3A_108 : vector<64x1024xf32>
    %add3A_110 = arith.addf %add3A_101, %mul3A_109 : vector<64x1024xf32>
    %get3A_111 = arith.constant 12 : index
    %get3A_112 = arith.constant 0 : index
    %get3A_113 = arith.constant 0 : index
    %get3A_114 = vector.load %arg2[%get3A_111, %get3A_112, %get3A_113] : memref<26x64x1024xf32, #tpu.memory_space<vmem>>, vector<1x64x1024xf32>
    %get3A_115 = vector.shape_cast %get3A_114 : vector<1x64x1024xf32> to vector<64x1024xf32>
    %slice3A_116 = vector.extract_strided_slice %div3A_6 {offsets = [12, 0], sizes = [1, 1024], strides = [1, 1]} : vector<26x1024xf32> to vector<1x1024xf32>
    %mul3A_117 = vector.broadcast %slice3A_116 : vector<1x1024xf32> to vector<64x1024xf32>
    %mul3A_118 = arith.mulf %get3A_115, %mul3A_117 : vector<64x1024xf32>
    %add3A_119 = arith.addf %add3A_110, %mul3A_118 : vector<64x1024xf32>
    %get3A_120 = arith.constant 13 : index
    %get3A_121 = arith.constant 0 : index
    %get3A_122 = arith.constant 0 : index
    %get3A_123 = vector.load %arg2[%get3A_120, %get3A_121, %get3A_122] : memref<26x64x1024xf32, #tpu.memory_space<vmem>>, vector<1x64x1024xf32>
    %get3A_124 = vector.shape_cast %get3A_123 : vector<1x64x1024xf32> to vector<64x1024xf32>
    %slice3A_125 = vector.extract_strided_slice %div3A_6 {offsets = [13, 0], sizes = [1, 1024], strides = [1, 1]} : vector<26x1024xf32> to vector<1x1024xf32>
    %mul3A_126 = vector.broadcast %slice3A_125 : vector<1x1024xf32> to vector<64x1024xf32>
    %mul3A_127 = arith.mulf %get3A_124, %mul3A_126 : vector<64x1024xf32>
    %add3A_128 = arith.addf %add3A_119, %mul3A_127 : vector<64x1024xf32>
    %get3A_129 = arith.constant 14 : index
    %get3A_130 = arith.constant 0 : index
    %get3A_131 = arith.constant 0 : index
    %get3A_132 = vector.load %arg2[%get3A_129, %get3A_130, %get3A_131] : memref<26x64x1024xf32, #tpu.memory_space<vmem>>, vector<1x64x1024xf32>
    %get3A_133 = vector.shape_cast %get3A_132 : vector<1x64x1024xf32> to vector<64x1024xf32>
    %slice3A_134 = vector.extract_strided_slice %div3A_6 {offsets = [14, 0], sizes = [1, 1024], strides = [1, 1]} : vector<26x1024xf32> to vector<1x1024xf32>
    %mul3A_135 = vector.broadcast %slice3A_134 : vector<1x1024xf32> to vector<64x1024xf32>
    %mul3A_136 = arith.mulf %get3A_133, %mul3A_135 : vector<64x1024xf32>
    %add3A_137 = arith.addf %add3A_128, %mul3A_136 : vector<64x1024xf32>
    %get3A_138 = arith.constant 15 : index
    %get3A_139 = arith.constant 0 : index
    %get3A_140 = arith.constant 0 : index
    %get3A_141 = vector.load %arg2[%get3A_138, %get3A_139, %get3A_140] : memref<26x64x1024xf32, #tpu.memory_space<vmem>>, vector<1x64x1024xf32>
    %get3A_142 = vector.shape_cast %get3A_141 : vector<1x64x1024xf32> to vector<64x1024xf32>
    %slice3A_143 = vector.extract_strided_slice %div3A_6 {offsets = [15, 0], sizes = [1, 1024], strides = [1, 1]} : vector<26x1024xf32> to vector<1x1024xf32>
    %mul3A_144 = vector.broadcast %slice3A_143 : vector<1x1024xf32> to vector<64x1024xf32>
    %mul3A_145 = arith.mulf %get3A_142, %mul3A_144 : vector<64x1024xf32>
    %add3A_146 = arith.addf %add3A_137, %mul3A_145 : vector<64x1024xf32>
    %get3A_147 = arith.constant 16 : index
    %get3A_148 = arith.constant 0 : index
    %get3A_149 = arith.constant 0 : index
    %get3A_150 = vector.load %arg2[%get3A_147, %get3A_148, %get3A_149] : memref<26x64x1024xf32, #tpu.memory_space<vmem>>, vector<1x64x1024xf32>
    %get3A_151 = vector.shape_cast %get3A_150 : vector<1x64x1024xf32> to vector<64x1024xf32>
    %slice3A_152 = vector.extract_strided_slice %div3A_6 {offsets = [16, 0], sizes = [1, 1024], strides = [1, 1]} : vector<26x1024xf32> to vector<1x1024xf32>
    %mul3A_153 = vector.broadcast %slice3A_152 : vector<1x1024xf32> to vector<64x1024xf32>
    %mul3A_154 = arith.mulf %get3A_151, %mul3A_153 : vector<64x1024xf32>
    %add3A_155 = arith.addf %add3A_146, %mul3A_154 : vector<64x1024xf32>
    %get3A_156 = arith.constant 17 : index
    %get3A_157 = arith.constant 0 : index
    %get3A_158 = arith.constant 0 : index
    %get3A_159 = vector.load %arg2[%get3A_156, %get3A_157, %get3A_158] : memref<26x64x1024xf32, #tpu.memory_space<vmem>>, vector<1x64x1024xf32>
    %get3A_160 = vector.shape_cast %get3A_159 : vector<1x64x1024xf32> to vector<64x1024xf32>
    %slice3A_161 = vector.extract_strided_slice %div3A_6 {offsets = [17, 0], sizes = [1, 1024], strides = [1, 1]} : vector<26x1024xf32> to vector<1x1024xf32>
    %mul3A_162 = vector.broadcast %slice3A_161 : vector<1x1024xf32> to vector<64x1024xf32>
    %mul3A_163 = arith.mulf %get3A_160, %mul3A_162 : vector<64x1024xf32>
    %add3A_164 = arith.addf %add3A_155, %mul3A_163 : vector<64x1024xf32>
    %get3A_165 = arith.constant 18 : index
    %get3A_166 = arith.constant 0 : index
    %get3A_167 = arith.constant 0 : index
    %get3A_168 = vector.load %arg2[%get3A_165, %get3A_166, %get3A_167] : memref<26x64x1024xf32, #tpu.memory_space<vmem>>, vector<1x64x1024xf32>
    %get3A_169 = vector.shape_cast %get3A_168 : vector<1x64x1024xf32> to vector<64x1024xf32>
    %slice3A_170 = vector.extract_strided_slice %div3A_6 {offsets = [18, 0], sizes = [1, 1024], strides = [1, 1]} : vector<26x1024xf32> to vector<1x1024xf32>
    %mul3A_171 = vector.broadcast %slice3A_170 : vector<1x1024xf32> to vector<64x1024xf32>
    %mul3A_172 = arith.mulf %get3A_169, %mul3A_171 : vector<64x1024xf32>
    %add3A_173 = arith.addf %add3A_164, %mul3A_172 : vector<64x1024xf32>
    %get3A_174 = arith.constant 19 : index
    %get3A_175 = arith.constant 0 : index
    %get3A_176 = arith.constant 0 : index
    %get3A_177 = vector.load %arg2[%get3A_174, %get3A_175, %get3A_176] : memref<26x64x1024xf32, #tpu.memory_space<vmem>>, vector<1x64x1024xf32>
    %get3A_178 = vector.shape_cast %get3A_177 : vector<1x64x1024xf32> to vector<64x1024xf32>
    %slice3A_179 = vector.extract_strided_slice %div3A_6 {offsets = [19, 0], sizes = [1, 1024], strides = [1, 1]} : vector<26x1024xf32> to vector<1x1024xf32>
    %mul3A_180 = vector.broadcast %slice3A_179 : vector<1x1024xf32> to vector<64x1024xf32>
    %mul3A_181 = arith.mulf %get3A_178, %mul3A_180 : vector<64x1024xf32>
    %add3A_182 = arith.addf %add3A_173, %mul3A_181 : vector<64x1024xf32>
    %get3A_183 = arith.constant 20 : index
    %get3A_184 = arith.constant 0 : index
    %get3A_185 = arith.constant 0 : index
    %get3A_186 = vector.load %arg2[%get3A_183, %get3A_184, %get3A_185] : memref<26x64x1024xf32, #tpu.memory_space<vmem>>, vector<1x64x1024xf32>
    %get3A_187 = vector.shape_cast %get3A_186 : vector<1x64x1024xf32> to vector<64x1024xf32>
    %slice3A_188 = vector.extract_strided_slice %div3A_6 {offsets = [20, 0], sizes = [1, 1024], strides = [1, 1]} : vector<26x1024xf32> to vector<1x1024xf32>
    %mul3A_189 = vector.broadcast %slice3A_188 : vector<1x1024xf32> to vector<64x1024xf32>
    %mul3A_190 = arith.mulf %get3A_187, %mul3A_189 : vector<64x1024xf32>
    %add3A_191 = arith.addf %add3A_182, %mul3A_190 : vector<64x1024xf32>
    %get3A_192 = arith.constant 21 : index
    %get3A_193 = arith.constant 0 : index
    %get3A_194 = arith.constant 0 : index
    %get3A_195 = vector.load %arg2[%get3A_192, %get3A_193, %get3A_194] : memref<26x64x1024xf32, #tpu.memory_space<vmem>>, vector<1x64x1024xf32>
    %get3A_196 = vector.shape_cast %get3A_195 : vector<1x64x1024xf32> to vector<64x1024xf32>
    %slice3A_197 = vector.extract_strided_slice %div3A_6 {offsets = [21, 0], sizes = [1, 1024], strides = [1, 1]} : vector<26x1024xf32> to vector<1x1024xf32>
    %mul3A_198 = vector.broadcast %slice3A_197 : vector<1x1024xf32> to vector<64x1024xf32>
    %mul3A_199 = arith.mulf %get3A_196, %mul3A_198 : vector<64x1024xf32>
    %add3A_200 = arith.addf %add3A_191, %mul3A_199 : vector<64x1024xf32>
    %get3A_201 = arith.constant 22 : index
    %get3A_202 = arith.constant 0 : index
    %get3A_203 = arith.constant 0 : index
    %get3A_204 = vector.load %arg2[%get3A_201, %get3A_202, %get3A_203] : memref<26x64x1024xf32, #tpu.memory_space<vmem>>, vector<1x64x1024xf32>
    %get3A_205 = vector.shape_cast %get3A_204 : vector<1x64x1024xf32> to vector<64x1024xf32>
    %slice3A_206 = vector.extract_strided_slice %div3A_6 {offsets = [22, 0], sizes = [1, 1024], strides = [1, 1]} : vector<26x1024xf32> to vector<1x1024xf32>
    %mul3A_207 = vector.broadcast %slice3A_206 : vector<1x1024xf32> to vector<64x1024xf32>
    %mul3A_208 = arith.mulf %get3A_205, %mul3A_207 : vector<64x1024xf32>
    %add3A_209 = arith.addf %add3A_200, %mul3A_208 : vector<64x1024xf32>
    %get3A_210 = arith.constant 23 : index
    %get3A_211 = arith.constant 0 : index
    %get3A_212 = arith.constant 0 : index
    %get3A_213 = vector.load %arg2[%get3A_210, %get3A_211, %get3A_212] : memref<26x64x1024xf32, #tpu.memory_space<vmem>>, vector<1x64x1024xf32>
    %get3A_214 = vector.shape_cast %get3A_213 : vector<1x64x1024xf32> to vector<64x1024xf32>
    %slice3A_215 = vector.extract_strided_slice %div3A_6 {offsets = [23, 0], sizes = [1, 1024], strides = [1, 1]} : vector<26x1024xf32> to vector<1x1024xf32>
    %mul3A_216 = vector.broadcast %slice3A_215 : vector<1x1024xf32> to vector<64x1024xf32>
    %mul3A_217 = arith.mulf %get3A_214, %mul3A_216 : vector<64x1024xf32>
    %add3A_218 = arith.addf %add3A_209, %mul3A_217 : vector<64x1024xf32>
    %get3A_219 = arith.constant 24 : index
    %get3A_220 = arith.constant 0 : index
    %get3A_221 = arith.constant 0 : index
    %get3A_222 = vector.load %arg2[%get3A_219, %get3A_220, %get3A_221] : memref<26x64x1024xf32, #tpu.memory_space<vmem>>, vector<1x64x1024xf32>
    %get3A_223 = vector.shape_cast %get3A_222 : vector<1x64x1024xf32> to vector<64x1024xf32>
    %slice3A_224 = vector.extract_strided_slice %div3A_6 {offsets = [24, 0], sizes = [1, 1024], strides = [1, 1]} : vector<26x1024xf32> to vector<1x1024xf32>
    %mul3A_225 = vector.broadcast %slice3A_224 : vector<1x1024xf32> to vector<64x1024xf32>
    %mul3A_226 = arith.mulf %get3A_223, %mul3A_225 : vector<64x1024xf32>
    %add3A_227 = arith.addf %add3A_218, %mul3A_226 : vector<64x1024xf32>
    %get3A_228 = arith.constant 25 : index
    %get3A_229 = arith.constant 0 : index
    %get3A_230 = arith.constant 0 : index
    %get3A_231 = vector.load %arg2[%get3A_228, %get3A_229, %get3A_230] : memref<26x64x1024xf32, #tpu.memory_space<vmem>>, vector<1x64x1024xf32>
    %get3A_232 = vector.shape_cast %get3A_231 : vector<1x64x1024xf32> to vector<64x1024xf32>
    %slice3A_233 = vector.extract_strided_slice %div3A_6 {offsets = [25, 0], sizes = [1, 1024], strides = [1, 1]} : vector<26x1024xf32> to vector<1x1024xf32>
    %mul3A_234 = vector.broadcast %slice3A_233 : vector<1x1024xf32> to vector<64x1024xf32>
    %mul3A_235 = arith.mulf %get3A_232, %mul3A_234 : vector<64x1024xf32>
    %add3A_236 = arith.addf %add3A_227, %mul3A_235 : vector<64x1024xf32>
    %swap3A = arith.constant 0 : index
    %swap3A_237 = arith.constant 0 : index
    %swap3A_238 = vector.load %arg3[%swap3A, %swap3A_237] : memref<64x1024xf32, #tpu.memory_space<vmem>>, vector<64x1024xf32>
    tpu.vector_store %arg3[%swap3A, %swap3A_237], %add3A_236 {strides = array<i32>} : memref<64x1024xf32, #tpu.memory_space<vmem>>, vector<64x1024xf32>,
    return
  }
  func.func @transform_0(%arg0: i32) -> (i32, i32) {
    %c0_i32 = arith.constant 0 : i32
    %c0_i32_0 = arith.constant 0 : i32
    return %c0_i32, %arg0 : i32, i32
  }
  func.func @transform_1(%arg0: i32) -> (i32, i32, i32) {
    %c0_i32 = arith.constant 0 : i32
    %c0_i32_0 = arith.constant 0 : i32
    %c0_i32_1 = arith.constant 0 : i32
    return %c0_i32, %c0_i32_0, %arg0 : i32, i32, i32
  }
  func.func @transform_2(%arg0: i32) -> (i32, i32) {
    %c0_i32 = arith.constant 0 : i32
    %c0_i32_0 = arith.constant 0 : i32
    return %c0_i32, %arg0 : i32, i32
  }
}

</mosaic_0001>

<sc_bundles>
// kernel: kernel.4.cloned.1.call-start
scs
__scs_entry_jumppad:
0x0: {  	(pc) =	sbr.rel $0x88, $3  }
0x1: {  	(tag) =	ssettag $0x0;
	lr =	simm.s32 $0x1  }
0x2: {  	[smem:$0x3F9E] =	sst lr;
	_ =	strace $0xD0000000  }
0x3: {  	_ = 	snop  }
0x4: {  	_ = 	snop  }
0x5: {  	_ = 	snop  }
0x6: {  	_ = 	snop  }
0x7: {  	_ = 	snop  }
__scs_overlays_trampoline_lowered:
0x8: {  	[smem:$0x3FAD] =	sst s0  }
0x9: {  	[smem:$0x3FAE] =	sst s1  }
0xa: {  	[smem:$0x3FAF] =	sst s2  }
0xb: {  	[smem:$0x3FB0] =	sst s3  }
0xc: {  	[smem:$0x3FB1] =	sst s4  }
0xd: {  	[smem:$0x3FB2] =	sst s5  }
0xe: {  	[smem:$0x3FB3] =	sst s6  }
0xf: {  	[smem:$0x3FB4] =	sst s7  }
0x10: {  	[smem:$0x3FB5] =	sst s8  }
0x11: {  	[smem:$0x3FB6] =	sst s9;
	s0 =	simm.s32 @!p0 $0x0  }
0x12: {  	s1 =	sld [smem:$0x3F9C];
	s0 =	simm.s32 @p0 $0x1  }
0x13: {  	[smem:$0x3FB7] =	sst s0;
	s0 =	simm.s32 @!p1 $0x0  }
0x14: {  	s2 =	sld [smem:$0x3F9B];
	s0 =	simm.s32 @p1 $0x1  }
0x15: {  	[smem:$0x3FB8] =	sst s0;
	s0 =	simm.s32 @!p2 $0x0  }
0x16: {  	s3 =	sld [smem:$0x3FDB];
	s0 =	simm.s32 @p2 $0x1  }
0x17: {  	s4 =	simm.s32 $0x1BF5;
	[smem:$0x3FBA] =	sst s0  }
0x18: {  	s0 =	sld [smem:$0x3F9D];
	_ =	swait.ge [sflag:s4], $0x0  }
0x19: {  	s7 =	sld [smem:$0x3F9E]  }
0x1a: {  	s8 =	sadd.s32 $0xFFFFE003, lr  }
0x1b: {  	s9 =	sadd.s32 $0xFFFFFEF7, lr;
	s5 =	simm.s32 $0xFFFFFFFF;
	p2 =	slt.u32 s8, $0xFFFFF086  }
0x1c: {  	p1 =	slt.u32 s9, $0xF7A;
	s5 =	simm.s32 @!p2 $0x0  }
0x1d: {  	s5 =	simm.s32 @p1 $0x1;
	p0 =	seq.s32 s7, s2  }
0x1e: {  	s7 =	smul.u32 @!p0 $0xF7A, s2;
	p2 =	seq.s32 @!p0 s5, $0x0  }
0x1f: {  	s9 =	smul.u32 $0xF7A, s1;
	s8 =	simm.s32 @!p0 $0x1BF5;
	p2 =	por !p2, p0  }
0x20: {  	[sflag:s8] =	ssyncset.s32 @!p0 $0xFFFFF086;
	s6 =	sadd.s32 @!p0 s3, s7;
	s7 =	simm.s32 @!p0 $0x108  }
0x21: {  	s3 =	sadd.s32 s3, s9;
	s6 =	sadd.s32 @!p0 $0x88, s6;
	s7 =	simm.s32 @p2 $0x1082  }
0x22: {  	[simem:s7], [sflag:s8] =	dma.local @!p0 [hbm:s6], $0xF7A  }
0x23: {  	s9 =	sor.u32 $0xD0000000, s2;
	s6 =	simm.s32 $0x108;
	_ =	swait.ge @!p0 [sflag:s8], $0x0  }
0x24: {  	s3 =	sadd.s32 $0x88, s3;
	s6 =	simm.s32 @!p1 $0x1082;
	[sflag:s4] =	ssyncset.s32 $0xFFFFF086  }
0x25: {  	[simem:s6], [sflag:s4] =	dma.local [hbm:s3], $0xF7A  }
0x26: {  	[smem:$0x3F9E] =	sst s1;
	(tag) =	ssettag s2;
	_ =	strace s9  }
0x27: {  	s1 =	sld [smem:$0x3FAE]  }
0x28: {  	s2 =	sld [smem:$0x3FAF]  }
0x29: {  	s4 =	sld [smem:$0x3FB1]  }
0x2a: {  	p0 =	seq.s32 s5, $0x0;
	s5 =	sld [smem:$0x3FB2]  }
0x2b: {  	s6 =	sld [smem:$0x3FB3]  }
0x2c: {  	s7 =	sld [smem:$0x3FB4]  }
0x2d: {  	s3 =	simm.s32 $0x108;
	s8 =	sld [smem:$0x3FB5]  }
0x2e: {  	s3 =	simm.s32 @!p0 $0x1082;
	s9 =	sld [smem:$0x3FB6]  }
0x2f: {  	lr =	sadd.s32 s0, s3;
	s0 =	sld [smem:$0x3FAD]  }
0x30: {  	s3 =	sld [smem:$0x3FB0]  }
0x31: {  	[smem:$0x3FB9] =	sst s10  }
0x32: {  	s10 =	sld [smem:$0x3FB7];
	_ =	sdelay $0x3  }
0x33: {  	p0 =	seq.s32 s10, $0x1;
	s10 =	sld [smem:$0x3FB9];
	_ =	sdelay $0x3  }
0x34: {  	[smem:$0x3FB9] =	sst s10  }
0x35: {  	s10 =	sld [smem:$0x3FB8];
	_ =	sdelay $0x3  }
0x36: {  	p1 =	seq.s32 s10, $0x1;
	s10 =	sld [smem:$0x3FB9];
	_ =	sdelay $0x3  }
0x37: {  	[smem:$0x3FB9] =	sst s10  }
0x38: {  	s10 =	sld [smem:$0x3FBA]  }
0x39: {  	_ = 	snop;
	(pc) =	sbr.ind lr, $3  }
0x3a: {  	_ = 	snop  }
0x3b: {  	_ = 	snop  }
0x3c: {  	p2 =	seq.s32 s10, $0x1;
	s10 =	sld [smem:$0x3FB9]  }
0x3d: {  	_ =	shalt  }
0x3e: {  	_ =	shalt  }
0x3f: {  	_ =	shalt  }
0x40: {  	_ =	shalt  }
0x41: {  	_ =	shalt  }
0x42: {  	_ =	shalt  }
0x43: {  	_ =	shalt  }
0x44: {  	_ =	shalt  }
0x45: {  	_ =	shalt  }
0x46: {  	_ =	shalt  }
0x47: {  	_ =	shalt  }
0x48: {  	_ =	shalt  }
0x49: {  	_ =	shalt  }
0x4a: {  	_ =	shalt  }
0x4b: {  	_ =	shalt  }
0x4c: {  	_ =	shalt  }
0x4d: {  	_ =	shalt  }
0x4e: {  	_ =	shalt  }
0x4f: {  	_ =	shalt  }
0x50: {  	_ =	shalt  }
0x51: {  	_ =	shalt  }
0x52: {  	_ =	shalt  }
0x53: {  	_ =	shalt  }
0x54: {  	_ =	shalt  }
0x55: {  	_ =	shalt  }
0x56: {  	_ =	shalt  }
0x57: {  	_ =	shalt  }
0x58: {  	_ =	shalt  }
0x59: {  	_ =	shalt  }
0x5a: {  	_ =	shalt  }
0x5b: {  	_ =	shalt  }
0x5c: {  	_ =	shalt  }
0x5d: {  	_ =	shalt  }
0x5e: {  	_ =	shalt  }
0x5f: {  	_ =	shalt  }
0x60: {  	_ =	shalt  }
0x61: {  	_ =	shalt  }
0x62: {  	_ =	shalt  }
0x63: {  	_ =	shalt  }
0x64: {  	_ =	shalt  }
0x65: {  	_ =	shalt  }
0x66: {  	_ =	shalt  }
0x67: {  	_ =	shalt  }
0x68: {  	_ =	shalt  }
0x69: {  	_ =	shalt  }
0x6a: {  	_ =	shalt  }
0x6b: {  	_ =	shalt  }
0x6c: {  	_ =	shalt  }
0x6d: {  	_ =	shalt  }
0x6e: {  	_ =	shalt  }
0x6f: {  	_ =	shalt  }
0x70: {  	_ =	shalt  }
0x71: {  	_ =	shalt  }
0x72: {  	_ =	shalt  }
0x73: {  	_ =	shalt  }
0x74: {  	_ =	shalt  }
0x75: {  	_ =	shalt  }
0x76: {  	_ =	shalt  }
0x77: {  	_ =	shalt  }
0x78: {  	_ =	shalt  }
0x79: {  	_ =	shalt  }
0x7a: {  	_ =	shalt  }
0x7b: {  	_ =	shalt  }
0x7c: {  	_ =	shalt  }
0x7d: {  	_ =	shalt  }
0x7e: {  	_ =	shalt  }
0x7f: {  	_ =	shalt  }
0x80: {  	_ =	shalt  }
0x81: {  	_ =	shalt  }
0x82: {  	_ =	shalt  }
0x83: {  	_ =	shalt  }
0x84: {  	_ =	shalt  }
0x85: {  	_ =	shalt  }
0x86: {  	_ =	shalt  }
0x87: {  	_ =	shalt  }
.Lfunc_end0:
.L_simem_size_0:
called_computation_lowered:
.L_overlay_start_0:
0x88: {  	s2 =	sld [smem:$0x3FD9]  }
0x89: {  	s3 =	sld [smem:$0x3FFE];
	_ =	sdelay $0x1  }
0x8a: {  	s1 =	srdreg.scid  }
0x8b: {  	s0 =	sand.u32 $0x1, s1  }
0x8c: {  	s17 =	sshll.u32 s0, $0xA;
	s2 =	sadd.s32 s3, s2  }
0x8d: {  	s2 =	sadd.s32 s2, s17  }
0x8e: {  	[smem:$0x3FC5] =	sst s2  }
0x8f: {  	_ = 	snop  }
0x90: {  	s2 =	sld [smem:$0x3FC8]  }
0x91: {  	s18 =	sld [smem:$0x3FD0];
	(tm) =	ssettm $0x1  }
0x92: {  	s4 =	sld [smem:$0x3FFB];
	_ =	sdelay $0x3  }
0x93: {  	_ =	strace s4  }
0x94: {  	s4 =	sld [smem:$0x3FFC];
	_ =	sdelay $0x3  }
0x95: {  	_ =	strace s4  }
0x96: {  	s4 =	sld [smem:$0x3FFD];
	_ =	sdelay $0x3  }
0x97: {  	_ =	strace s4  }
0x98: {  	_ =	strace $0x8FFFFFFF  }
0x99: {  	s19 =	sld [smem:$0x3FDB];
	_ =	sdelay $0x1  }
0x9a: {  	s5 =	simm.s32 $_scs_section_size  }
0x9b: {  	s6 =	simm.s32 $_size__tile_overlayer_lowered;
	s7 =	simm.s32 $_tile_overlayer_lowered  }
0x9c: {  	s22 =	simm.s32 $0x1BFF;
	s21 =	sshll.u32 s7, $0x1;
	s4 =	sadd.s32 s5, s19  }
0x9d: {  	s8 =	simm.s32 $0x0;
	s20 =	sshll.u32 s6, $0x1;
	s6 =	sadd.s32 s21, s4  }
0x9e: {  	[timem:s8], [sflag:s22] =	dma.local [hbm:s6], s20  }
0x9f: {  	_ =	swait.ge [sflag:s22], s20  }
0xa0: {  	s5 =	ssub.s32 $0x0, s20;
	[sflag:s22] =	ssyncset.done $0x0  }
0xa1: {  	[sflag:s22] =	ssyncadd.s32 s5;
	_ =	sdelay $0x1  }
0xa2: {  	s23 =	simm.s32 $0x1B8B  }
0xa3: {  	_ =	swait.ge [sflag:s23], $0x1  }
0xa4: {  	[sflag:s23] =	ssyncset.done $0x0  }
0xa5: {  	s25 =	simm.s32 $0x1B8E;
	s24 =	sld [smem:$0x3FFE];
	[sflag:s23] =	ssyncadd.s32 $0xFFFFFFFF  }
0xa6: {  	s26 =	simm.s32 $execute0_lowered;
	[smem:$0x3FD2] =	sst s25  }
0xa7: {  	s6 =	sshll.u32 s26, $0x1;
	_ =	strace $0x80000046;
	[dreg:$0x1] =	wrdreg $0xFFFFFFFF  }
0xa8: {  	s28 =	simm.s32 $_size_execute0_lowered;
	s4 =	sadd.s32 s4, s6;
	[dreg:$0x0] =	wrdreg $0x0  }
0xa9: {  	s6 =	sshll.u32 s28, $0x1;
	[dreg:$0x2] =	wrdreg s4  }
0xaa: {  	[dreg:$0x3] =	wrdreg s6  }
0xab: {  	[dreg:$0x4] =	wrdreg $0xC0  }
0xac: {  	_ =	task [dreg:s8], $0x5FFFF  }
0xad: {  	[dreg:$0x1] =	wrdreg $0xFFFFFFFF  }
0xae: {  	[dreg:$0x0] =	wrdreg $0x60  }
0xaf: {  	[dreg:$0x2] =	wrdreg s2  }
0xb0: {  	[dreg:$0x3] =	wrdreg s24  }
0xb1: {  	[dreg:$0x4] =	wrdreg s18  }
0xb2: {  	[dreg:$0x5] =	wrdreg $0x9  }
0xb3: {  	_ =	task.clear_ibuf [dreg:s8], $0x6FFFF;
	_ =	strace $0x90000046  }
0xb4: {  	s29 =	simm.s32 $0x9;
	_ =	strace $0x80000048  }
0xb5: {  	_ =	swait.ge [sflag:s29], $0x1  }
0xb6: {  	[sflag:s29] =	ssyncadd.s32 $0xFFFFFFFF  }
0xb7: {  	_ =	strace $0x90000048  }
0xb8: {  	_ =	sfence  }
0xb9: {  	s30 =	sld [smem:$0x0];
	_ =	sdelay $0x2  }
0xba: {  	s31 =	sshll.u32 s1, $0xD;
	s1 =	sshrl.u32 s1, $0x2  }
0xbb: {  	s3 =	sand.u32 $0x4000, s31;
	s1 =	sadd.s32 s1, s30  }
0xbc: {  	s0 =	sor.u32 s3, s0;
	s1 =	sshll.u32 s1, $0x11  }
0xbd: {  	s0 =	sor.u32 s1, s0  }
0xbe: {  	s0 =	sadd.s32 $0x8F2B, s0  }
0xbf: {  	[sflag:s0] =	ssyncadd.remote.s32 $0x1  }
0xc0: {  	_ =	sfence.sel $0xFFFF  }
0xc1: {  	[dreg:$0x0] =	wrdreg $0xFFFFFFFF;
	(pc) =	sbr.abs _section_cstart, $3  }
0xc2: {  	[dreg:$0x1] =	wrdreg $0xFFFFFFFF  }
0xc3: {  	_ =	task.clear_ibuf [dreg:s8], $0x2FFFF;
	_ =	strace $0x9FFFFFFF  }
0xc4: {  	(tm) =	ssettm $0x7FFFFFFF  }
0xc5: {  	_ =	shalt  }
tec
execute0_lowered:
.L_overlay_start_1:
0x0: {  	(tag) =	ssettag $0x1  }
0x1: {  	s1 =	rddreg [dreg:$0x0]  }
0x2: {  	s2 =	rddreg [dreg:$0x1]  }
0x3: {  	s0 =	rddreg [dreg:$0x2];
	s4 =	simm.s32 $0x0  }
0x4: {  	[smem:$0x7FF] =	sst s4;
	s7 =	sadd.s32 $0x400, s2  }
0x5: {  	s17 =	sadd.s32 $0x34D4, s2;
	_ =	strace $0x80000047;
	[dreg:$0x4] =	wrdreg s7  }
0x6: {  	s18 =	sadd.s32 $0x65A8, s2;
	[dreg:$0x6] =	wrdreg s17  }
0x7: {  	s19 =	sadd.s32 $0x967C, s2;
	[dreg:$0x7] =	wrdreg s18  }
0x8: {  	s20 =	sadd.s32 $0xC750, s2;
	[dreg:$0x8] =	wrdreg s19  }
0x9: {  	s21 =	sadd.s32 $0xF824, s2;
	[dreg:$0x9] =	wrdreg s20  }
0xa: {  	s22 =	sadd.s32 $0x128F8, s2;
	[dreg:$0xa] =	wrdreg s21  }
0xb: {  	s23 =	sadd.s32 $0x159CC, s2;
	[dreg:$0xb] =	wrdreg s22  }
0xc: {  	s24 =	sadd.s32 $0x18AA0, s2;
	[dreg:$0xc] =	wrdreg s23  }
0xd: {  	s25 =	sadd.s32 $0x1BB74, s2;
	[dreg:$0xd] =	wrdreg s24  }
0xe: {  	s3 =	srdreg.scid;
	s26 =	sadd.s32 $0x1EC48, s2;
	[dreg:$0xe] =	wrdreg s25  }
0xf: {  	s5 =	stileid.u32;
	s8 =	sadd.s32 $0x27EC4, s2;
	[dreg:$0xf] =	wrdreg s26  }
0x10: {  	s31 =	simm.s32 $0x180;
	s9 =	sadd.s32 $0x2AF98, s2;
	[dreg:$0x12] =	wrdreg s8  }
0x11: {  	s30 =	simm.s32 $0x200;
	s10 =	sadd.s32 $0x2E06C, s2;
	[dreg:$0x13] =	wrdreg s9  }
0x12: {  	s29 =	simm.s32 $0x280;
	s11 =	sadd.s32 $0x31140, s2;
	[dreg:$0x14] =	wrdreg s10  }
0x13: {  	s28 =	simm.s32 $0x300;
	s12 =	sadd.s32 $0x34214, s2;
	[dreg:$0x15] =	wrdreg s11  }
0x14: {  	p0 =	por $0x0, $0x0;
	s13 =	sadd.s32 $0x372E8, s2;
	[dreg:$0x16] =	wrdreg s12  }
0x15: {  	s3 =	sand.u32 $0x1, s3;
	s14 =	sadd.s32 $0x3A3BC, s2;
	[dreg:$0x17] =	wrdreg s13  }
0x16: {  	s5 =	sshll.u32 s5, $0x5;
	s15 =	sadd.s32 $0x3D490, s2;
	[dreg:$0x18] =	wrdreg s14  }
0x17: {  	s16 =	sadd.s32 $0x40564, s2;
	s6 =	sshll.u32 s3, $0x4;
	[dreg:$0x19] =	wrdreg s15  }
0x18: {  	s7 =	sadd.s32 $0x24DF0, s2;
	[dreg:$0x1a] =	wrdreg s16;
	s17 =	sadd.s32 $0x43638, s2  }
0x19: {  	s18 =	sadd.s32 $0x4670C, s2;
	s3 =	ssub.s32 $0x2, s3;
	s19 =	sadd.s32 $0x497E0, s2  }
0x1a: {  	s21 =	sadd.s32 $0x4C8B4, s2;
	s26 =	simm.s32 $0x100;
	[dreg:$0x11] =	wrdreg s7  }
0x1b: {  	s25 =	simm.s32 $0x400;
	[dreg:$0x1b] =	wrdreg s17;
	s20 =	sshrl.u32 s3, $0x1  }
0x1c: {  	s24 =	simm.s32 $0x480;
	[dreg:$0x1c] =	wrdreg s18;
	s22 =	ssub.s32 s3, s20  }
0x1d: {  	s11 =	simm.s32 $0x500;
	[dreg:$0x1d] =	wrdreg s19;
	s23 =	smax.u32 s22, $0x1  }
0x1e: {  	s5 =	sor.u32 s6, s5;
	[dreg:$0x1e] =	wrdreg s21;
	p1 =	sne.s32 s23, $0x1  }
.Ltmp0:
0x1f: {  	s6 =	sadd.s32 $0x21D1C, s2;
	[smem:$0x7FD] =	sst s26;
	(pc) =	sbr.rel @!p1 .LBB2_1-.Ltmp0, $4  }
0x20: {  	s2 =	simm.s32 $0x2;
	s1 =	sadd.s32 s1, s5;
	[dreg:$0x10] =	wrdreg s6  }
0x21: {  	s26 =	simm.s32 $0x380;
	s0 =	sadd.s32 s0, s5;
	[dreg:$0x5] =	wrdreg s1  }
0x22: {  	s7 =	simm.s32 $0x1000;
	s3 =	simm.s32 $0x80;
	[dreg:$0x1f] =	wrdreg s0  }
0x23: {  	s5 =	simm.s32 $0x1;
	s6 =	sadd.s32 $0xFFFFFFFF, s23;
	s1 =	rddreg [dreg:$0x5]  }
0x24: {  	[tilespmem:s4], [sflag:$0x2] =	stream.linear.gather [hbm4b:s1+s4], $0x80, $0x38;
	[tilespmem:$0xD80] =	vst v63  }
0x25: {  	_ =	swait.ge [sflag:s2], $0x80  }
0x26: {  	s0 =	sld [smem:$0x7FD];
	_ =	sdelay $0x1  }
0x27: {  	s23 =	rddreg [dreg:$0x4]  }
0x28: {  	[sflag:s2] =	ssyncset.done $0x0;
	[smem:$0x7FC] =	sst s0  }
0x29: {  	[sflag:s2] =	ssyncadd.s32 $0xFFFFFF80;
	s8 =	sld [smem:$0x7FC]  }
0x2a: {  	[tilespmem:s3], [sflag:$0x1] =	stream.indirect.gather [hbm4b:s23+s3], $0x1, s4, s3, $0xb8;
	[tilespmem:$0xD80] =	vst v63  }
0x2b: {  	s0 =	rddreg [dreg:$0x6]  }
0x2c: {  	[tilespmem:s8], [sflag:$0x1] =	stream.indirect.gather [hbm4b:s0+s3], $0x1, s4, s3, $0xb8;
	[tilespmem:$0xD80] =	vst v63  }
0x2d: {  	s1 =	rddreg [dreg:$0x7]  }
0x2e: {  	[tilespmem:s31], [sflag:$0x1] =	stream.indirect.gather [hbm4b:s1+s3], $0x1, s4, s3, $0xb8;
	[tilespmem:$0xD80] =	vst v63  }
0x2f: {  	s0 =	rddreg [dreg:$0x8]  }
0x30: {  	[tilespmem:s30], [sflag:$0x1] =	stream.indirect.gather [hbm4b:s0+s3], $0x1, s4, s3, $0xb8;
	[tilespmem:$0xD80] =	vst v63  }
0x31: {  	s8 =	rddreg [dreg:$0x9]  }
0x32: {  	[tilespmem:s29], [sflag:$0x1] =	stream.indirect.gather [hbm4b:s8+s3], $0x1, s4, s3, $0xb8;
	[tilespmem:$0xD80] =	vst v63  }
0x33: {  	s0 =	rddreg [dreg:$0xa]  }
0x34: {  	[tilespmem:s28], [sflag:$0x1] =	stream.indirect.gather [hbm4b:s0+s3], $0x1, s4, s3, $0xb8;
	[tilespmem:$0xD80] =	vst v63  }
0x35: {  	s8 =	rddreg [dreg:$0xb]  }
0x36: {  	[tilespmem:s26], [sflag:$0x1] =	stream.indirect.gather [hbm4b:s8+s3], $0x1, s4, s3, $0xb8;
	[tilespmem:$0xD80] =	vst v63  }
0x37: {  	s0 =	rddreg [dreg:$0xc]  }
0x38: {  	[tilespmem:s25], [sflag:$0x1] =	stream.indirect.gather [hbm4b:s0+s3], $0x1, s4, s3, $0xb8;
	[tilespmem:$0xD80] =	vst v63  }
0x39: {  	s8 =	rddreg [dreg:$0xd]  }
0x3a: {  	[tilespmem:s24], [sflag:$0x1] =	stream.indirect.gather [hbm4b:s8+s3], $0x1, s4, s3, $0xb8;
	[tilespmem:$0xD80] =	vst v63  }
0x3b: {  	s25 =	rddreg [dreg:$0xe]  }
0x3c: {  	[tilespmem:s11], [sflag:$0x1] =	stream.indirect.gather [hbm4b:s25+s3], $0x1, s4, s3, $0xb8;
	[tilespmem:$0xD80] =	vst v63  }
0x3d: {  	s23 =	simm.s32 $0x580;
	s26 =	rddreg [dreg:$0xf]  }
0x3e: {  	[tilespmem:s23], [sflag:$0x1] =	stream.indirect.gather [hbm4b:s26+s3], $0x1, s4, s3, $0xb8;
	[tilespmem:$0xD80] =	vst v63  }
0x3f: {  	s22 =	simm.s32 $0x600;
	s8 =	rddreg [dreg:$0x10]  }
0x40: {  	[tilespmem:s22], [sflag:$0x1] =	stream.indirect.gather [hbm4b:s8+s3], $0x1, s4, s3, $0xb8;
	[tilespmem:$0xD80] =	vst v63  }
0x41: {  	s21 =	simm.s32 $0x680;
	s11 =	rddreg [dreg:$0x11]  }
0x42: {  	[tilespmem:s21], [sflag:$0x1] =	stream.indirect.gather [hbm4b:s11+s3], $0x1, s4, s3, $0xb8;
	[tilespmem:$0xD80] =	vst v63  }
0x43: {  	s20 =	simm.s32 $0x700;
	s23 =	rddreg [dreg:$0x12]  }
0x44: {  	[tilespmem:s20], [sflag:$0x1] =	stream.indirect.gather [hbm4b:s23+s3], $0x1, s4, s3, $0xb8;
	[tilespmem:$0xD80] =	vst v63  }
0x45: {  	s19 =	simm.s32 $0x780;
	s24 =	rddreg [dreg:$0x13]  }
0x46: {  	[tilespmem:s19], [sflag:$0x1] =	stream.indirect.gather [hbm4b:s24+s3], $0x1, s4, s3, $0xb8;
	[tilespmem:$0xD80] =	vst v63  }
0x47: {  	s18 =	simm.s32 $0x800;
	s25 =	rddreg [dreg:$0x14]  }
0x48: {  	[tilespmem:s18], [sflag:$0x1] =	stream.indirect.gather [hbm4b:s25+s3], $0x1, s4, s3, $0xb8;
	[tilespmem:$0xD80] =	vst v63  }
0x49: {  	s17 =	simm.s32 $0x880;
	s26 =	rddreg [dreg:$0x15]  }
0x4a: {  	[tilespmem:s17], [sflag:$0x1] =	stream.indirect.gather [hbm4b:s26+s3], $0x1, s4, s3, $0xb8;
	[tilespmem:$0xD80] =	vst v63  }
0x4b: {  	s16 =	simm.s32 $0x900;
	s8 =	rddreg [dreg:$0x16]  }
0x4c: {  	[tilespmem:s16], [sflag:$0x1] =	stream.indirect.gather [hbm4b:s8+s3], $0x1, s4, s3, $0xb8;
	[tilespmem:$0xD80] =	vst v63  }
0x4d: {  	s15 =	simm.s32 $0x980;
	s11 =	rddreg [dreg:$0x17]  }
0x4e: {  	[tilespmem:s15], [sflag:$0x1] =	stream.indirect.gather [hbm4b:s11+s3], $0x1, s4, s3, $0xb8;
	[tilespmem:$0xD80] =	vst v63  }
0x4f: {  	s13 =	simm.s32 $0xA00;
	s17 =	rddreg [dreg:$0x18]  }
0x50: {  	[tilespmem:s13], [sflag:$0x1] =	stream.indirect.gather [hbm4b:s17+s3], $0x1, s4, s3, $0xb8;
	[tilespmem:$0xD80] =	vst v63  }
0x51: {  	s10 =	simm.s32 $0xA80;
	s18 =	rddreg [dreg:$0x19]  }
0x52: {  	[tilespmem:s10], [sflag:$0x1] =	stream.indirect.gather [hbm4b:s18+s3], $0x1, s4, s3, $0xb8;
	[tilespmem:$0xD80] =	vst v63  }
0x53: {  	s21 =	simm.s32 $0xB00;
	s19 =	rddreg [dreg:$0x1a]  }
0x54: {  	[tilespmem:s21], [sflag:$0x1] =	stream.indirect.gather [hbm4b:s19+s3], $0x1, s4, s3, $0xb8;
	[tilespmem:$0xD80] =	vst v63  }
0x55: {  	s14 =	simm.s32 $0xB80;
	s20 =	rddreg [dreg:$0x1b]  }
0x56: {  	[tilespmem:s14], [sflag:$0x1] =	stream.indirect.gather [hbm4b:s20+s3], $0x1, s4, s3, $0xb8;
	[tilespmem:$0xD80] =	vst v63  }
0x57: {  	s12 =	simm.s32 $0xC00;
	s22 =	rddreg [dreg:$0x1c]  }
0x58: {  	[tilespmem:s12], [sflag:$0x1] =	stream.indirect.gather [hbm4b:s22+s3], $0x1, s4, s3, $0xb8;
	[tilespmem:$0xD80] =	vst v63  }
0x59: {  	s9 =	simm.s32 $0xC80;
	s23 =	rddreg [dreg:$0x1d]  }
0x5a: {  	[tilespmem:s9], [sflag:$0x1] =	stream.indirect.gather [hbm4b:s23+s3], $0x1, s4, s3, $0xb8;
	[tilespmem:$0xD80] =	vst v63  }
0x5b: {  	s24 =	rddreg [dreg:$0x1e];
	s25 =	simm.s32 $0xD00  }
0x5c: {  	[tilespmem:s25], [sflag:$0x1] =	stream.indirect.gather [hbm4b:s24+s3], $0x1, s4, s3, $0xb8;
	[tilespmem:$0xD80] =	vst v63  }
0x5d: {  	_ =	swait.ge [sflag:s5], $0x80  }
0x5e: {  	[sflag:s5] =	ssyncset.done $0x0  }
0x5f: {  	[sflag:s5] =	ssyncadd.s32 $0xFFFFFF80  }
0x60: {  	_ =	swait.ge [sflag:s5], $0x80  }
0x61: {  	[sflag:s5] =	ssyncset.done $0x0  }
0x62: {  	[sflag:s5] =	ssyncadd.s32 $0xFFFFFF80  }
0x63: {  	_ =	swait.ge [sflag:s5], $0x80  }
0x64: {  	[sflag:s5] =	ssyncset.done $0x0  }
0x65: {  	[sflag:s5] =	ssyncadd.s32 $0xFFFFFF80  }
0x66: {  	_ =	swait.ge [sflag:s5], $0x80  }
0x67: {  	[sflag:s5] =	ssyncset.done $0x0  }
0x68: {  	[sflag:s5] =	ssyncadd.s32 $0xFFFFFF80  }
0x69: {  	_ =	swait.ge [sflag:s5], $0x80  }
0x6a: {  	[sflag:s5] =	ssyncset.done $0x0  }
0x6b: {  	[sflag:s5] =	ssyncadd.s32 $0xFFFFFF80  }
0x6c: {  	_ =	swait.ge [sflag:s5], $0x80  }
0x6d: {  	[sflag:s5] =	ssyncset.done $0x0  }
0x6e: {  	[sflag:s5] =	ssyncadd.s32 $0xFFFFFF80  }
0x6f: {  	_ =	swait.ge [sflag:s5], $0x80  }
0x70: {  	[sflag:s5] =	ssyncset.done $0x0  }
0x71: {  	[sflag:s5] =	ssyncadd.s32 $0xFFFFFF80  }
0x72: {  	_ =	swait.ge [sflag:s5], $0x80  }
0x73: {  	[sflag:s5] =	ssyncset.done $0x0  }
0x74: {  	[sflag:s5] =	ssyncadd.s32 $0xFFFFFF80  }
0x75: {  	_ =	swait.ge [sflag:s5], $0x80  }
0x76: {  	[sflag:s5] =	ssyncset.done $0x0  }
0x77: {  	[sflag:s5] =	ssyncadd.s32 $0xFFFFFF80  }
0x78: {  	_ =	swait.ge [sflag:s5], $0x80  }
0x79: {  	[sflag:s5] =	ssyncset.done $0x0  }
0x7a: {  	[sflag:s5] =	ssyncadd.s32 $0xFFFFFF80  }
0x7b: {  	_ =	swait.ge [sflag:s5], $0x80  }
0x7c: {  	[sflag:s5] =	ssyncset.done $0x0  }
0x7d: {  	[sflag:s5] =	ssyncadd.s32 $0xFFFFFF80  }
0x7e: {  	_ =	swait.ge [sflag:s5], $0x80  }
0x7f: {  	[sflag:s5] =	ssyncset.done $0x0  }
0x80: {  	[sflag:s5] =	ssyncadd.s32 $0xFFFFFF80  }
0x81: {  	_ =	swait.ge [sflag:s5], $0x80  }
0x82: {  	[sflag:s5] =	ssyncset.done $0x0  }
0x83: {  	[sflag:s5] =	ssyncadd.s32 $0xFFFFFF80  }
0x84: {  	_ =	swait.ge [sflag:s5], $0x80  }
0x85: {  	[sflag:s5] =	ssyncset.done $0x0  }
0x86: {  	[sflag:s5] =	ssyncadd.s32 $0xFFFFFF80  }
0x87: {  	_ =	swait.ge [sflag:s5], $0x80  }
0x88: {  	[sflag:s5] =	ssyncset.done $0x0  }
0x89: {  	[sflag:s5] =	ssyncadd.s32 $0xFFFFFF80  }
0x8a: {  	_ =	swait.ge [sflag:s5], $0x80  }
0x8b: {  	[sflag:s5] =	ssyncset.done $0x0  }
0x8c: {  	[sflag:s5] =	ssyncadd.s32 $0xFFFFFF80  }
0x8d: {  	_ =	swait.ge [sflag:s5], $0x80  }
0x8e: {  	[sflag:s5] =	ssyncset.done $0x0  }
0x8f: {  	[sflag:s5] =	ssyncadd.s32 $0xFFFFFF80  }
0x90: {  	_ =	swait.ge [sflag:s5], $0x80  }
0x91: {  	[sflag:s5] =	ssyncset.done $0x0  }
0x92: {  	[sflag:s5] =	ssyncadd.s32 $0xFFFFFF80  }
0x93: {  	_ =	swait.ge [sflag:s5], $0x80  }
0x94: {  	[sflag:s5] =	ssyncset.done $0x0  }
0x95: {  	[sflag:s5] =	ssyncadd.s32 $0xFFFFFF80  }
0x96: {  	_ =	swait.ge [sflag:s5], $0x80  }
0x97: {  	[sflag:s5] =	ssyncset.done $0x0  }
0x98: {  	[sflag:s5] =	ssyncadd.s32 $0xFFFFFF80  }
0x99: {  	_ =	swait.ge [sflag:s5], $0x80  }
0x9a: {  	[sflag:s5] =	ssyncset.done $0x0  }
0x9b: {  	[sflag:s5] =	ssyncadd.s32 $0xFFFFFF80  }
0x9c: {  	_ =	swait.ge [sflag:s5], $0x80  }
0x9d: {  	[sflag:s5] =	ssyncset.done $0x0  }
0x9e: {  	[sflag:s5] =	ssyncadd.s32 $0xFFFFFF80  }
0x9f: {  	p1 =	sne.s32 s6, $0x1;
	p0 =	por $0x1, $0x1;
	_ =	swait.ge [sflag:s5], $0x80  }
0xa0: {  	s31 =	simm.s32 $0x200;
	s30 =	simm.s32 $0x280;
	[sflag:s5] =	ssyncset.done $0x0  }
0xa1: {  	s29 =	simm.s32 $0x300;
	s28 =	simm.s32 $0x380;
	[sflag:s5] =	ssyncadd.s32 $0xFFFFFF80  }
0xa2: {  	s0 =	sadd.s32 $0xFFFFFFFF, s6;
	s16 =	simm.s32 $0x900;
	_ =	swait.ge [sflag:s5], $0x80  }
0xa3: {  	s15 =	simm.s32 $0x980;
	s11 =	simm.s32 $0xA80;
	[sflag:s5] =	ssyncset.done $0x0  }
0xa4: {  	s17 =	simm.s32 $0x880;
	s13 =	simm.s32 $0xA00;
	[sflag:s5] =	ssyncadd.s32 $0xFFFFFF80  }
0xa5: {  	s18 =	simm.s32 $0x800;
	s10 =	simm.s32 $0xD00;
	_ =	swait.ge [sflag:s5], $0x80  }
0xa6: {  	s21 =	simm.s32 $0x680;
	s19 =	simm.s32 $0x780;
	[sflag:s5] =	ssyncset.done $0x0  }
0xa7: {  	s20 =	simm.s32 $0x700;
	s14 =	simm.s32 $0xB80;
	[sflag:s5] =	ssyncadd.s32 $0xFFFFFF80  }
0xa8: {  	s22 =	simm.s32 $0x600;
	s12 =	simm.s32 $0xC00;
	_ =	swait.ge [sflag:s5], $0x80  }
.Ltmp1:
0xa9: {  	s9 =	simm.s32 $0x180;
	[sflag:s5] =	ssyncset.done $0x0;
	(pc) =	sbr.rel @!p1 .LBB2_3-.Ltmp1, $4  }
0xaa: {  	s23 =	simm.s32 $0x580;
	s26 =	rddreg [dreg:$0x1f];
	[sflag:s5] =	ssyncadd.s32 $0xFFFFFF80  }
0xab: {  	[hbm4b:s26+s3] =	stream.strided.scatter [tilespmem:s3], [sflag:$0x2], $0xD00, s7, s3, $0x38;
	[tilespmem:$0xD80] =	vst v63  }
0xac: {  	s25 =	simm.s32 $0x480;
	s24 =	simm.s32 $0x500;
	_ =	swait.ge [sflag:s2], $0xD00  }
0xad: {  	s26 =	simm.s32 $0x400;
	s1 =	rddreg [dreg:$0x5];
	[sflag:s2] =	ssyncset.done $0x0  }
.LBB2_4:
0xae: {  	[sflag:s2] =	ssyncadd.s32 $0xFFFFF300  }
0xaf: {  	[tilespmem:s4], [sflag:$0x2] =	stream.linear.gather [hbm4b:s1+s4], $0x80, $0x38;
	[tilespmem:$0xD80] =	vst v63  }
0xb0: {  	_ =	swait.ge [sflag:s2], $0x80  }
0xb1: {  	s8 =	rddreg [dreg:$0x4];
	[sflag:s2] =	ssyncset.done $0x0  }
0xb2: {  	s6 =	sld [smem:$0x7FD];
	[sflag:s2] =	ssyncadd.s32 $0xFFFFFF80  }
0xb3: {  	[tilespmem:s3], [sflag:$0x1] =	stream.indirect.gather [hbm4b:s8+s3], $0x1, s4, s3, $0xb8;
	[tilespmem:$0xD80] =	vst v63  }
0xb4: {  	s7 =	rddreg [dreg:$0x6]  }
0xb5: {  	[tilespmem:s6], [sflag:$0x1] =	stream.indirect.gather [hbm4b:s7+s3], $0x1, s4, s3, $0xb8;
	[tilespmem:$0xD80] =	vst v63  }
0xb6: {  	s8 =	rddreg [dreg:$0x7]  }
0xb7: {  	[tilespmem:s9], [sflag:$0x1] =	stream.indirect.gather [hbm4b:s8+s3], $0x1, s4, s3, $0xb8;
	[tilespmem:$0xD80] =	vst v63  }
0xb8: {  	s6 =	rddreg [dreg:$0x8]  }
0xb9: {  	[tilespmem:s31], [sflag:$0x1] =	stream.indirect.gather [hbm4b:s6+s3], $0x1, s4, s3, $0xb8;
	[tilespmem:$0xD80] =	vst v63  }
0xba: {  	s8 =	rddreg [dreg:$0x9]  }
0xbb: {  	[tilespmem:s30], [sflag:$0x1] =	stream.indirect.gather [hbm4b:s8+s3], $0x1, s4, s3, $0xb8;
	[tilespmem:$0xD80] =	vst v63  }
0xbc: {  	s6 =	rddreg [dreg:$0xa]  }
0xbd: {  	[tilespmem:s29], [sflag:$0x1] =	stream.indirect.gather [hbm4b:s6+s3], $0x1, s4, s3, $0xb8;
	[tilespmem:$0xD80] =	vst v63  }
0xbe: {  	s8 =	rddreg [dreg:$0xb]  }
0xbf: {  	[tilespmem:s28], [sflag:$0x1] =	stream.indirect.gather [hbm4b:s8+s3], $0x1, s4, s3, $0xb8;
	[tilespmem:$0xD80] =	vst v63  }
0xc0: {  	s6 =	rddreg [dreg:$0xc]  }
0xc1: {  	[tilespmem:s26], [sflag:$0x1] =	stream.indirect.gather [hbm4b:s6+s3], $0x1, s4, s3, $0xb8;
	[tilespmem:$0xD80] =	vst v63  }
0xc2: {  	s8 =	rddreg [dreg:$0xd]  }
0xc3: {  	[tilespmem:s25], [sflag:$0x1] =	stream.indirect.gather [hbm4b:s8+s3], $0x1, s4, s3, $0xb8;
	[tilespmem:$0xD80] =	vst v63  }
0xc4: {  	s6 =	rddreg [dreg:$0xe]  }
0xc5: {  	[tilespmem:s24], [sflag:$0x1] =	stream.indirect.gather [hbm4b:s6+s3], $0x1, s4, s3, $0xb8;
	[tilespmem:$0xD80] =	vst v63  }
0xc6: {  	s8 =	rddreg [dreg:$0xf]  }
0xc7: {  	[tilespmem:s23], [sflag:$0x1] =	stream.indirect.gather [hbm4b:s8+s3], $0x1, s4, s3, $0xb8;
	[tilespmem:$0xD80] =	vst v63  }
0xc8: {  	s6 =	rddreg [dreg:$0x10]  }
0xc9: {  	[tilespmem:s22], [sflag:$0x1] =	stream.indirect.gather [hbm4b:s6+s3], $0x1, s4, s3, $0xb8;
	[tilespmem:$0xD80] =	vst v63  }
0xca: {  	s8 =	rddreg [dreg:$0x11]  }
0xcb: {  	[tilespmem:s21], [sflag:$0x1] =	stream.indirect.gather [hbm4b:s8+s3], $0x1, s4, s3, $0xb8;
	[tilespmem:$0xD80] =	vst v63  }
0xcc: {  	s6 =	rddreg [dreg:$0x12]  }
0xcd: {  	[tilespmem:s20], [sflag:$0x1] =	stream.indirect.gather [hbm4b:s6+s3], $0x1, s4, s3, $0xb8;
	[tilespmem:$0xD80] =	vst v63  }
0xce: {  	s8 =	rddreg [dreg:$0x13]  }
0xcf: {  	[tilespmem:s19], [sflag:$0x1] =	stream.indirect.gather [hbm4b:s8+s3], $0x1, s4, s3, $0xb8;
	[tilespmem:$0xD80] =	vst v63  }
0xd0: {  	s6 =	rddreg [dreg:$0x14]  }
0xd1: {  	[tilespmem:s18], [sflag:$0x1] =	stream.indirect.gather [hbm4b:s6+s3], $0x1, s4, s3, $0xb8;
	[tilespmem:$0xD80] =	vst v63  }
0xd2: {  	s8 =	rddreg [dreg:$0x15]  }
0xd3: {  	[tilespmem:s17], [sflag:$0x1] =	stream.indirect.gather [hbm4b:s8+s3], $0x1, s4, s3, $0xb8;
	[tilespmem:$0xD80] =	vst v63  }
0xd4: {  	s6 =	rddreg [dreg:$0x16]  }
0xd5: {  	[tilespmem:s16], [sflag:$0x1] =	stream.indirect.gather [hbm4b:s6+s3], $0x1, s4, s3, $0xb8;
	[tilespmem:$0xD80] =	vst v63  }
0xd6: {  	s8 =	rddreg [dreg:$0x17]  }
0xd7: {  	[tilespmem:s15], [sflag:$0x1] =	stream.indirect.gather [hbm4b:s8+s3], $0x1, s4, s3, $0xb8;
	[tilespmem:$0xD80] =	vst v63  }
0xd8: {  	s6 =	rddreg [dreg:$0x18]  }
0xd9: {  	[tilespmem:s13], [sflag:$0x1] =	stream.indirect.gather [hbm4b:s6+s3], $0x1, s4, s3, $0xb8;
	[tilespmem:$0xD80] =	vst v63  }
0xda: {  	s8 =	rddreg [dreg:$0x19]  }
0xdb: {  	[tilespmem:s11], [sflag:$0x1] =	stream.indirect.gather [hbm4b:s8+s3], $0x1, s4, s3, $0xb8;
	[tilespmem:$0xD80] =	vst v63  }
0xdc: {  	s6 =	rddreg [dreg:$0x1a];
	s8 =	simm.s32 $0xB00  }
0xdd: {  	[tilespmem:s8], [sflag:$0x1] =	stream.indirect.gather [hbm4b:s6+s3], $0x1, s4, s3, $0xb8;
	[tilespmem:$0xD80] =	vst v63  }
0xde: {  	s1 =	rddreg [dreg:$0x1b]  }
0xdf: {  	[tilespmem:s14], [sflag:$0x1] =	stream.indirect.gather [hbm4b:s1+s3], $0x1, s4, s3, $0xb8;
	[tilespmem:$0xD80] =	vst v63  }
0xe0: {  	s8 =	rddreg [dreg:$0x1c]  }
0xe1: {  	[tilespmem:s12], [sflag:$0x1] =	stream.indirect.gather [hbm4b:s8+s3], $0x1, s4, s3, $0xb8;
	[tilespmem:$0xD80] =	vst v63  }
0xe2: {  	s1 =	rddreg [dreg:$0x1d];
	s8 =	simm.s32 $0xC80  }
0xe3: {  	[tilespmem:s8], [sflag:$0x1] =	stream.indirect.gather [hbm4b:s1+s3], $0x1, s4, s3, $0xb8;
	[tilespmem:$0xD80] =	vst v63  }
0xe4: {  	s6 =	rddreg [dreg:$0x1e]  }
0xe5: {  	[tilespmem:s10], [sflag:$0x1] =	stream.indirect.gather [hbm4b:s6+s3], $0x1, s4, s3, $0xb8;
	[tilespmem:$0xD80] =	vst v63  }
0xe6: {  	_ =	swait.ge [sflag:s5], $0x80  }
0xe7: {  	[sflag:s5] =	ssyncset.done $0x0  }
0xe8: {  	[sflag:s5] =	ssyncadd.s32 $0xFFFFFF80  }
0xe9: {  	_ =	swait.ge [sflag:s5], $0x80  }
0xea: {  	[sflag:s5] =	ssyncset.done $0x0  }
0xeb: {  	[sflag:s5] =	ssyncadd.s32 $0xFFFFFF80  }
0xec: {  	_ =	swait.ge [sflag:s5], $0x80  }
0xed: {  	[sflag:s5] =	ssyncset.done $0x0  }
0xee: {  	[sflag:s5] =	ssyncadd.s32 $0xFFFFFF80  }
0xef: {  	_ =	swait.ge [sflag:s5], $0x80  }
0xf0: {  	[sflag:s5] =	ssyncset.done $0x0  }
0xf1: {  	[sflag:s5] =	ssyncadd.s32 $0xFFFFFF80  }
0xf2: {  	_ =	swait.ge [sflag:s5], $0x80  }
0xf3: {  	[sflag:s5] =	ssyncset.done $0x0  }
0xf4: {  	[sflag:s5] =	ssyncadd.s32 $0xFFFFFF80  }
0xf5: {  	_ =	swait.ge [sflag:s5], $0x80  }
0xf6: {  	[sflag:s5] =	ssyncset.done $0x0  }
0xf7: {  	[sflag:s5] =	ssyncadd.s32 $0xFFFFFF80  }
0xf8: {  	_ =	swait.ge [sflag:s5], $0x80  }
0xf9: {  	[sflag:s5] =	ssyncset.done $0x0  }
0xfa: {  	[sflag:s5] =	ssyncadd.s32 $0xFFFFFF80  }
0xfb: {  	_ =	swait.ge [sflag:s5], $0x80  }
0xfc: {  	[sflag:s5] =	ssyncset.done $0x0  }
0xfd: {  	[sflag:s5] =	ssyncadd.s32 $0xFFFFFF80  }
0xfe: {  	_ =	swait.ge [sflag:s5], $0x80  }
0xff: {  	[sflag:s5] =	ssyncset.done $0x0  }
0x100: {  	[sflag:s5] =	ssyncadd.s32 $0xFFFFFF80  }
0x101: {  	_ =	swait.ge [sflag:s5], $0x80  }
0x102: {  	[sflag:s5] =	ssyncset.done $0x0  }
0x103: {  	[sflag:s5] =	ssyncadd.s32 $0xFFFFFF80  }
0x104: {  	_ =	swait.ge [sflag:s5], $0x80  }
0x105: {  	[sflag:s5] =	ssyncset.done $0x0  }
0x106: {  	[sflag:s5] =	ssyncadd.s32 $0xFFFFFF80  }
0x107: {  	_ =	swait.ge [sflag:s5], $0x80  }
0x108: {  	[sflag:s5] =	ssyncset.done $0x0  }
0x109: {  	[sflag:s5] =	ssyncadd.s32 $0xFFFFFF80  }
0x10a: {  	_ =	swait.ge [sflag:s5], $0x80  }
0x10b: {  	[sflag:s5] =	ssyncset.done $0x0  }
0x10c: {  	[sflag:s5] =	ssyncadd.s32 $0xFFFFFF80  }
0x10d: {  	_ =	swait.ge [sflag:s5], $0x80  }
0x10e: {  	[sflag:s5] =	ssyncset.done $0x0  }
0x10f: {  	[sflag:s5] =	ssyncadd.s32 $0xFFFFFF80  }
0x110: {  	_ =	swait.ge [sflag:s5], $0x80  }
0x111: {  	[sflag:s5] =	ssyncset.done $0x0  }
0x112: {  	[sflag:s5] =	ssyncadd.s32 $0xFFFFFF80  }
0x113: {  	_ =	swait.ge [sflag:s5], $0x80  }
0x114: {  	[sflag:s5] =	ssyncset.done $0x0  }
0x115: {  	[sflag:s5] =	ssyncadd.s32 $0xFFFFFF80  }
0x116: {  	_ =	swait.ge [sflag:s5], $0x80  }
0x117: {  	[sflag:s5] =	ssyncset.done $0x0  }
0x118: {  	[sflag:s5] =	ssyncadd.s32 $0xFFFFFF80  }
0x119: {  	_ =	swait.ge [sflag:s5], $0x80  }
0x11a: {  	[sflag:s5] =	ssyncset.done $0x0  }
0x11b: {  	[sflag:s5] =	ssyncadd.s32 $0xFFFFFF80  }
0x11c: {  	_ =	swait.ge [sflag:s5], $0x80  }
0x11d: {  	[sflag:s5] =	ssyncset.done $0x0  }
0x11e: {  	[sflag:s5] =	ssyncadd.s32 $0xFFFFFF80  }
0x11f: {  	_ =	swait.ge [sflag:s5], $0x80  }
0x120: {  	[sflag:s5] =	ssyncset.done $0x0  }
0x121: {  	[sflag:s5] =	ssyncadd.s32 $0xFFFFFF80  }
0x122: {  	_ =	swait.ge [sflag:s5], $0x80  }
0x123: {  	[sflag:s5] =	ssyncset.done $0x0  }
0x124: {  	[sflag:s5] =	ssyncadd.s32 $0xFFFFFF80  }
0x125: {  	_ =	swait.ge [sflag:s5], $0x80  }
0x126: {  	[sflag:s5] =	ssyncset.done $0x0  }
0x127: {  	[sflag:s5] =	ssyncadd.s32 $0xFFFFFF80  }
0x128: {  	_ =	swait.ge [sflag:s5], $0x80  }
0x129: {  	[sflag:s5] =	ssyncset.done $0x0  }
0x12a: {  	[sflag:s5] =	ssyncadd.s32 $0xFFFFFF80  }
0x12b: {  	_ =	swait.ge [sflag:s5], $0x80  }
0x12c: {  	[sflag:s5] =	ssyncset.done $0x0  }
0x12d: {  	[sflag:s5] =	ssyncadd.s32 $0xFFFFFF80  }
0x12e: {  	_ =	swait.ge [sflag:s5], $0x80  }
0x12f: {  	[sflag:s5] =	ssyncset.done $0x0  }
0x130: {  	[sflag:s5] =	ssyncadd.s32 $0xFFFFFF80  }
0x131: {  	p1 =	sne.s32 s0, $0x1;
	_ =	swait.ge [sflag:s5], $0x80  }
.Ltmp2:
0x132: {  	[sflag:s5] =	ssyncset.done $0x0;
	(pc) =	sbr.rel @p1 .LBB2_4-.Ltmp2, $4  }
0x133: {  	s7 =	simm.s32 $0x1000;
	s8 =	rddreg [dreg:$0x1f];
	[sflag:s5] =	ssyncadd.s32 $0xFFFFFF80  }
0x134: {  	[hbm4b:s8+s3] =	stream.strided.scatter [tilespmem:s3], [sflag:$0x2], $0xD00, s7, s3, $0x38;
	[tilespmem:$0xD80] =	vst v63  }
0x135: {  	_ =	swait.ge [sflag:s2], $0xD00  }
0x136: {  	s0 =	sadd.s32 $0xFFFFFFFF, s0;
	s1 =	rddreg [dreg:$0x5];
	[sflag:s2] =	ssyncset.done $0x0  }
0x137: {  	s10 =	simm.s32 $0x180;
	s31 =	simm.s32 $0x200  }
0x138: {  	s30 =	simm.s32 $0x280;
	s29 =	simm.s32 $0x300;
	s28 =	simm.s32 $0x380  }
0x139: {  	s26 =	simm.s32 $0x400;
	s25 =	simm.s32 $0x480;
	s24 =	simm.s32 $0x500  }
0x13a: {  	s23 =	simm.s32 $0x580;
	s22 =	simm.s32 $0x600;
	s21 =	simm.s32 $0x680  }
0x13b: {  	s20 =	simm.s32 $0x700;
	s19 =	simm.s32 $0x780;
	s18 =	simm.s32 $0x800  }
0x13c: {  	s17 =	simm.s32 $0x880;
	s16 =	simm.s32 $0x900;
	s15 =	simm.s32 $0x980  }
0x13d: {  	s14 =	simm.s32 $0xB80;
	s13 =	simm.s32 $0xA00;
	s12 =	simm.s32 $0xC00  }
0x13e: {  	s11 =	simm.s32 $0xA80;
	s9 =	simm.s32 $0xC80;
	s8 =	simm.s32 $0xB00  }
.LBB2_6:
0x13f: {  	[sflag:s2] =	ssyncadd.s32 @p0 $0xFFFFF300  }
0x140: {  	[tilespmem:s4], [sflag:$0x2] =	stream.linear.gather [hbm4b:s1+s4], $0x80, $0x38;
	[tilespmem:$0xD80] =	vst v63  }
0x141: {  	_ =	swait.ge [sflag:s2], $0x80  }
0x142: {  	s0 =	rddreg [dreg:$0x4];
	[sflag:s2] =	ssyncset.done $0x0  }
0x143: {  	s1 =	sld [smem:$0x7FD];
	[sflag:s2] =	ssyncadd.s32 $0xFFFFFF80  }
0x144: {  	[tilespmem:s3], [sflag:$0x1] =	stream.indirect.gather [hbm4b:s0+s3], $0x1, s4, s3, $0xb8;
	[tilespmem:$0xD80] =	vst v63  }
0x145: {  	s6 =	rddreg [dreg:$0x6]  }
0x146: {  	[tilespmem:s1], [sflag:$0x1] =	stream.indirect.gather [hbm4b:s6+s3], $0x1, s4, s3, $0xb8;
	[tilespmem:$0xD80] =	vst v63  }
0x147: {  	s0 =	rddreg [dreg:$0x7]  }
0x148: {  	[tilespmem:s10], [sflag:$0x1] =	stream.indirect.gather [hbm4b:s0+s3], $0x1, s4, s3, $0xb8;
	[tilespmem:$0xD80] =	vst v63  }
0x149: {  	s1 =	rddreg [dreg:$0x8]  }
0x14a: {  	[tilespmem:s31], [sflag:$0x1] =	stream.indirect.gather [hbm4b:s1+s3], $0x1, s4, s3, $0xb8;
	[tilespmem:$0xD80] =	vst v63  }
0x14b: {  	s6 =	rddreg [dreg:$0x9]  }
0x14c: {  	[tilespmem:s30], [sflag:$0x1] =	stream.indirect.gather [hbm4b:s6+s3], $0x1, s4, s3, $0xb8;
	[tilespmem:$0xD80] =	vst v63  }
0x14d: {  	s10 =	rddreg [dreg:$0xa]  }
0x14e: {  	[tilespmem:s29], [sflag:$0x1] =	stream.indirect.gather [hbm4b:s10+s3], $0x1, s4, s3, $0xb8;
	[tilespmem:$0xD80] =	vst v63  }
0x14f: {  	s30 =	rddreg [dreg:$0xb]  }
0x150: {  	[tilespmem:s28], [sflag:$0x1] =	stream.indirect.gather [hbm4b:s30+s3], $0x1, s4, s3, $0xb8;
	[tilespmem:$0xD80] =	vst v63  }
0x151: {  	s31 =	rddreg [dreg:$0xc]  }
0x152: {  	[tilespmem:s26], [sflag:$0x1] =	stream.indirect.gather [hbm4b:s31+s3], $0x1, s4, s3, $0xb8;
	[tilespmem:$0xD80] =	vst v63  }
0x153: {  	s6 =	rddreg [dreg:$0xd]  }
0x154: {  	[tilespmem:s25], [sflag:$0x1] =	stream.indirect.gather [hbm4b:s6+s3], $0x1, s4, s3, $0xb8;
	[tilespmem:$0xD80] =	vst v63  }
0x155: {  	s10 =	rddreg [dreg:$0xe]  }
0x156: {  	[tilespmem:s24], [sflag:$0x1] =	stream.indirect.gather [hbm4b:s10+s3], $0x1, s4, s3, $0xb8;
	[tilespmem:$0xD80] =	vst v63  }
0x157: {  	s26 =	rddreg [dreg:$0xf]  }
0x158: {  	[tilespmem:s23], [sflag:$0x1] =	stream.indirect.gather [hbm4b:s26+s3], $0x1, s4, s3, $0xb8;
	[tilespmem:$0xD80] =	vst v63  }
0x159: {  	s28 =	rddreg [dreg:$0x10]  }
0x15a: {  	[tilespmem:s22], [sflag:$0x1] =	stream.indirect.gather [hbm4b:s28+s3], $0x1, s4, s3, $0xb8;
	[tilespmem:$0xD80] =	vst v63  }
0x15b: {  	s29 =	rddreg [dreg:$0x11]  }
0x15c: {  	[tilespmem:s21], [sflag:$0x1] =	stream.indirect.gather [hbm4b:s29+s3], $0x1, s4, s3, $0xb8;
	[tilespmem:$0xD80] =	vst v63  }
0x15d: {  	s30 =	rddreg [dreg:$0x12]  }
0x15e: {  	[tilespmem:s20], [sflag:$0x1] =	stream.indirect.gather [hbm4b:s30+s3], $0x1, s4, s3, $0xb8;
	[tilespmem:$0xD80] =	vst v63  }
0x15f: {  	s31 =	rddreg [dreg:$0x13]  }
0x160: {  	[tilespmem:s19], [sflag:$0x1] =	stream.indirect.gather [hbm4b:s31+s3], $0x1, s4, s3, $0xb8;
	[tilespmem:$0xD80] =	vst v63  }
0x161: {  	s6 =	rddreg [dreg:$0x14]  }
0x162: {  	[tilespmem:s18], [sflag:$0x1] =	stream.indirect.gather [hbm4b:s6+s3], $0x1, s4, s3, $0xb8;
	[tilespmem:$0xD80] =	vst v63  }
0x163: {  	s10 =	rddreg [dreg:$0x15]  }
0x164: {  	[tilespmem:s17], [sflag:$0x1] =	stream.indirect.gather [hbm4b:s10+s3], $0x1, s4, s3, $0xb8;
	[tilespmem:$0xD80] =	vst v63  }
0x165: {  	s19 =	rddreg [dreg:$0x16]  }
0x166: {  	[tilespmem:s16], [sflag:$0x1] =	stream.indirect.gather [hbm4b:s19+s3], $0x1, s4, s3, $0xb8;
	[tilespmem:$0xD80] =	vst v63  }
0x167: {  	s20 =	rddreg [dreg:$0x17]  }
0x168: {  	[tilespmem:s15], [sflag:$0x1] =	stream.indirect.gather [hbm4b:s20+s3], $0x1, s4, s3, $0xb8;
	[tilespmem:$0xD80] =	vst v63  }
0x169: {  	s21 =	rddreg [dreg:$0x18]  }
0x16a: {  	[tilespmem:s13], [sflag:$0x1] =	stream.indirect.gather [hbm4b:s21+s3], $0x1, s4, s3, $0xb8;
	[tilespmem:$0xD80] =	vst v63  }
0x16b: {  	s22 =	rddreg [dreg:$0x19]  }
0x16c: {  	[tilespmem:s11], [sflag:$0x1] =	stream.indirect.gather [hbm4b:s22+s3], $0x1, s4, s3, $0xb8;
	[tilespmem:$0xD80] =	vst v63  }
0x16d: {  	s23 =	rddreg [dreg:$0x1a]  }
0x16e: {  	[tilespmem:s8], [sflag:$0x1] =	stream.indirect.gather [hbm4b:s23+s3], $0x1, s4, s3, $0xb8;
	[tilespmem:$0xD80] =	vst v63  }
0x16f: {  	s24 =	rddreg [dreg:$0x1b]  }
0x170: {  	[tilespmem:s14], [sflag:$0x1] =	stream.indirect.gather [hbm4b:s24+s3], $0x1, s4, s3, $0xb8;
	[tilespmem:$0xD80] =	vst v63  }
0x171: {  	s25 =	rddreg [dreg:$0x1c]  }
0x172: {  	[tilespmem:s12], [sflag:$0x1] =	stream.indirect.gather [hbm4b:s25+s3], $0x1, s4, s3, $0xb8;
	[tilespmem:$0xD80] =	vst v63  }
0x173: {  	s26 =	rddreg [dreg:$0x1d]  }
0x174: {  	[tilespmem:s9], [sflag:$0x1] =	stream.indirect.gather [hbm4b:s26+s3], $0x1, s4, s3, $0xb8;
	[tilespmem:$0xD80] =	vst v63  }
0x175: {  	s28 =	rddreg [dreg:$0x1e];
	s29 =	simm.s32 $0xD00  }
0x176: {  	[tilespmem:s29], [sflag:$0x1] =	stream.indirect.gather [hbm4b:s28+s3], $0x1, s4, s3, $0xb8;
	[tilespmem:$0xD80] =	vst v63  }
0x177: {  	_ =	swait.ge [sflag:s5], $0x80  }
0x178: {  	[sflag:s5] =	ssyncset.done $0x0  }
0x179: {  	[sflag:s5] =	ssyncadd.s32 $0xFFFFFF80  }
0x17a: {  	_ =	swait.ge [sflag:s5], $0x80  }
0x17b: {  	[sflag:s5] =	ssyncset.done $0x0  }
0x17c: {  	[sflag:s5] =	ssyncadd.s32 $0xFFFFFF80  }
0x17d: {  	_ =	swait.ge [sflag:s5], $0x80  }
0x17e: {  	[sflag:s5] =	ssyncset.done $0x0  }
0x17f: {  	[sflag:s5] =	ssyncadd.s32 $0xFFFFFF80  }
0x180: {  	_ =	swait.ge [sflag:s5], $0x80  }
0x181: {  	[sflag:s5] =	ssyncset.done $0x0  }
0x182: {  	[sflag:s5] =	ssyncadd.s32 $0xFFFFFF80  }
0x183: {  	_ =	swait.ge [sflag:s5], $0x80  }
0x184: {  	[sflag:s5] =	ssyncset.done $0x0  }
0x185: {  	[sflag:s5] =	ssyncadd.s32 $0xFFFFFF80  }
0x186: {  	_ =	swait.ge [sflag:s5], $0x80  }
0x187: {  	[sflag:s5] =	ssyncset.done $0x0  }
0x188: {  	[sflag:s5] =	ssyncadd.s32 $0xFFFFFF80  }
0x189: {  	_ =	swait.ge [sflag:s5], $0x80  }
0x18a: {  	[sflag:s5] =	ssyncset.done $0x0  }
0x18b: {  	[sflag:s5] =	ssyncadd.s32 $0xFFFFFF80  }
0x18c: {  	_ =	swait.ge [sflag:s5], $0x80  }
0x18d: {  	[sflag:s5] =	ssyncset.done $0x0  }
0x18e: {  	[sflag:s5] =	ssyncadd.s32 $0xFFFFFF80  }
0x18f: {  	_ =	swait.ge [sflag:s5], $0x80  }
0x190: {  	[sflag:s5] =	ssyncset.done $0x0  }
0x191: {  	[sflag:s5] =	ssyncadd.s32 $0xFFFFFF80  }
0x192: {  	_ =	swait.ge [sflag:s5], $0x80  }
0x193: {  	[sflag:s5] =	ssyncset.done $0x0  }
0x194: {  	[sflag:s5] =	ssyncadd.s32 $0xFFFFFF80  }
0x195: {  	_ =	swait.ge [sflag:s5], $0x80  }
0x196: {  	[sflag:s5] =	ssyncset.done $0x0  }
0x197: {  	[sflag:s5] =	ssyncadd.s32 $0xFFFFFF80  }
0x198: {  	_ =	swait.ge [sflag:s5], $0x80  }
0x199: {  	[sflag:s5] =	ssyncset.done $0x0  }
0x19a: {  	[sflag:s5] =	ssyncadd.s32 $0xFFFFFF80  }
0x19b: {  	_ =	swait.ge [sflag:s5], $0x80  }
0x19c: {  	[sflag:s5] =	ssyncset.done $0x0  }
0x19d: {  	[sflag:s5] =	ssyncadd.s32 $0xFFFFFF80  }
0x19e: {  	_ =	swait.ge [sflag:s5], $0x80  }
0x19f: {  	[sflag:s5] =	ssyncset.done $0x0  }
0x1a0: {  	[sflag:s5] =	ssyncadd.s32 $0xFFFFFF80  }
0x1a1: {  	_ =	swait.ge [sflag:s5], $0x80  }
0x1a2: {  	[sflag:s5] =	ssyncset.done $0x0  }
0x1a3: {  	[sflag:s5] =	ssyncadd.s32 $0xFFFFFF80  }
0x1a4: {  	_ =	swait.ge [sflag:s5], $0x80  }
0x1a5: {  	[sflag:s5] =	ssyncset.done $0x0  }
0x1a6: {  	[sflag:s5] =	ssyncadd.s32 $0xFFFFFF80  }
0x1a7: {  	_ =	swait.ge [sflag:s5], $0x80  }
0x1a8: {  	[sflag:s5] =	ssyncset.done $0x0  }
0x1a9: {  	[sflag:s5] =	ssyncadd.s32 $0xFFFFFF80  }
0x1aa: {  	_ =	swait.ge [sflag:s5], $0x80  }
0x1ab: {  	[sflag:s5] =	ssyncset.done $0x0  }
0x1ac: {  	[sflag:s5] =	ssyncadd.s32 $0xFFFFFF80  }
0x1ad: {  	_ =	swait.ge [sflag:s5], $0x80  }
0x1ae: {  	[sflag:s5] =	ssyncset.done $0x0  }
0x1af: {  	[sflag:s5] =	ssyncadd.s32 $0xFFFFFF80  }
0x1b0: {  	_ =	swait.ge [sflag:s5], $0x80  }
0x1b1: {  	[sflag:s5] =	ssyncset.done $0x0  }
0x1b2: {  	[sflag:s5] =	ssyncadd.s32 $0xFFFFFF80  }
0x1b3: {  	_ =	swait.ge [sflag:s5], $0x80  }
0x1b4: {  	[sflag:s5] =	ssyncset.done $0x0  }
0x1b5: {  	[sflag:s5] =	ssyncadd.s32 $0xFFFFFF80  }
0x1b6: {  	_ =	swait.ge [sflag:s5], $0x80  }
0x1b7: {  	[sflag:s5] =	ssyncset.done $0x0  }
0x1b8: {  	[sflag:s5] =	ssyncadd.s32 $0xFFFFFF80  }
0x1b9: {  	_ =	swait.ge [sflag:s5], $0x80  }
0x1ba: {  	[sflag:s5] =	ssyncset.done $0x0  }
0x1bb: {  	[sflag:s5] =	ssyncadd.s32 $0xFFFFFF80  }
0x1bc: {  	_ =	swait.ge [sflag:s5], $0x80  }
0x1bd: {  	[sflag:s5] =	ssyncset.done $0x0  }
0x1be: {  	[sflag:s5] =	ssyncadd.s32 $0xFFFFFF80  }
0x1bf: {  	_ =	swait.ge [sflag:s5], $0x80  }
0x1c0: {  	[sflag:s5] =	ssyncset.done $0x0  }
0x1c1: {  	[sflag:s5] =	ssyncadd.s32 $0xFFFFFF80  }
0x1c2: {  	_ =	swait.ge [sflag:s5], $0x80  }
0x1c3: {  	[sflag:s5] =	ssyncset.done $0x0  }
0x1c4: {  	s30 =	rddreg [dreg:$0x1f];
	[sflag:s5] =	ssyncadd.s32 $0xFFFFFF80  }
0x1c5: {  	[hbm4b:s30+s3] =	stream.strided.scatter [tilespmem:s3], [sflag:$0x2], $0xD00, s7, s3, $0x38;
	[tilespmem:$0xD80] =	vst v63  }
0x1c6: {  	_ =	swait.ge [sflag:s2], $0xD00  }
0x1c7: {  	[sflag:s2] =	ssyncset.done $0x0  }
0x1c8: {  	[sflag:s2] =	ssyncadd.s32 $0xFFFFF300  }
0x1c9: {  	_ =	sfence.sel $0x180000  }
0x1ca: {  	[bflag:$0x0] =	sbarrier.arrive $0xFFFF  }
0x1cb: {  	_ =	strace $0x90000047  }
0x1cc: {  	s31 =	stileid.u32;
	[bflag:$0x2] =	sbarrier.arrive $0xFFFF  }
0x1cd: {  	p0 =	sne.s32 s31, $0x0;
	s0 =	rddreg [dreg:$0x3]  }
0x1ce: {  	s0 =	sadd.s32 @!p0 $0x100000, s0  }
0x1cf: {  	[sflag:s0] =	ssyncadd.tile.s32 @!p0 $0x1;
	_ =	shalt  }
.LBB2_1:
0x1d0: {  	s10 =	simm.s32 $0x180;
	s31 =	simm.s32 $0x200;
	s30 =	simm.s32 $0x280  }
0x1d1: {  	s29 =	simm.s32 $0x300;
	s28 =	simm.s32 $0x380;
	s26 =	simm.s32 $0x400  }
0x1d2: {  	s25 =	simm.s32 $0x480;
	s24 =	simm.s32 $0x500;
	s23 =	simm.s32 $0x580  }
.Ltmp3:
0x1d3: {  	s22 =	simm.s32 $0x600;
	s21 =	simm.s32 $0x680;
	(pc) =	sbr.rel .LBB2_6-.Ltmp3, $4  }
0x1d4: {  	s20 =	simm.s32 $0x700;
	s19 =	simm.s32 $0x780;
	s18 =	simm.s32 $0x800  }
0x1d5: {  	s17 =	simm.s32 $0x880;
	s16 =	simm.s32 $0x900;
	s15 =	simm.s32 $0x980  }
0x1d6: {  	s14 =	simm.s32 $0xB80;
	s13 =	simm.s32 $0xA00;
	s12 =	simm.s32 $0xC00  }
0x1d7: {  	s11 =	simm.s32 $0xA80;
	s9 =	simm.s32 $0xC80;
	s8 =	simm.s32 $0xB00  }
.LBB2_3:
0x1d8: {  	s10 =	simm.s32 $0x180;
	s31 =	simm.s32 $0x200;
	s30 =	simm.s32 $0x280  }
0x1d9: {  	s29 =	simm.s32 $0x300;
	s28 =	simm.s32 $0x380;
	s26 =	simm.s32 $0x400  }
0x1da: {  	s25 =	simm.s32 $0x480;
	s24 =	simm.s32 $0x500;
	s23 =	simm.s32 $0x580  }
.Ltmp4:
0x1db: {  	s22 =	simm.s32 $0x600;
	s21 =	simm.s32 $0x680;
	(pc) =	sbr.rel .LBB2_6-.Ltmp4, $4  }
0x1dc: {  	s20 =	simm.s32 $0x700;
	s19 =	simm.s32 $0x780;
	s18 =	simm.s32 $0x800  }
0x1dd: {  	s17 =	simm.s32 $0x880;
	s16 =	simm.s32 $0x900;
	s15 =	simm.s32 $0x980  }
0x1de: {  	s14 =	simm.s32 $0xB80;
	s13 =	simm.s32 $0xA00;
	s12 =	simm.s32 $0xC00  }
0x1df: {  	s11 =	simm.s32 $0xA80;
	s9 =	simm.s32 $0xC80;
	s8 =	simm.s32 $0xB00  }
.Lfunc_end2:
_tile_overlayer_lowered:
.L_overlay_start_2:
0x1e0: {  	(tag) =	ssettag $0x2  }
0x1e1: {  	s0 =	rddreg [dreg:$0x0];
	s2 =	stileid.u32  }
0x1e2: {  	s1 =	rddreg [dreg:$0x1];
	p0 =	sne.s32 s2, $0x0  }
0x1e3: {  	s3 =	rddreg [dreg:$0x2];
	[bflag:$0x3] =	sbarrier.arrive $0xFFFF;
	s2 =	simm.s32 @!p0 $0x1C02  }
0x1e4: {  	[timem:s3], [sflag:s2] =	dma.local @!p0 [hbm:s0], s1  }
0x1e5: {  	s0 =	simm.s32 @!p0 $0x2  }
0x1e6: {  	_ =	swait.ge @!p0 [sflag:s0], s1  }
0x1e7: {  	s1 =	ssub.s32 @!p0 $0x0, s1;
	[sflag:s0] =	ssyncset.done @!p0 $0x0  }
0x1e8: {  	[sflag:s0] =	ssyncadd.s32 @!p0 s1  }
0x1e9: {  	[bflag:$0x3] =	sbarrier.arrive $0xFFFF  }
0x1ea: {  	_ =	shalt  }

</sc_bundles>
